<compile_context>
chip_gen: v7x
topology: tpu7x:2x2x1
jax: 0.10.2.dev20260603
libtpu: 0.0.44.dev20260713+nightly
codegen_flags: <defaults>
</compile_context>

<pallas_src>
import functools

import jax
import jax.numpy as jnp
from jax import lax
from jax.experimental import pallas as pl
from jax.experimental.pallas import tpu as pltpu
from jax.experimental.pallas import tpu_sc as plsc

_B = 4096
_S = 200
_H = 64
_NW = 32
_BPW = _B // _NW
_STREAMS = ((0, 128), (128, 72))
_HP = 128
_GRP = 8
_EPS = 1e-12
_MAGIC = 0x5F3759DF

_GATHER_DNUMS = lax.GatherDimensionNumbers(
    offset_dims=(), collapsed_slice_dims=(0,), start_index_map=(0,))


def _allsum16(v, perms):
    for p in perms:
        v = v + lax.gather(v, p, _GATHER_DNUMS, (1,),
                           mode=lax.GatherScatterMode.PROMISE_IN_BOUNDS)
    return v


def _rsqrt16(a):
    ai = lax.bitcast_convert_type(a, jnp.int32)
    yi = jnp.int32(_MAGIC) - (ai >> 1)
    y = lax.bitcast_convert_type(yi, jnp.float32)
    ha = a * jnp.float32(0.5)
    for _ in range(2):
        y = y * (jnp.float32(1.5) - ha * y * y)
    return y


def _body(ids_hbm, wemb_hbm, pos_hbm, gam_hbm, bet_hbm, out_hbm,
          idx_v, rows0, rows1, out0, out1, pos_v, g_v, b_v,
          sem_g, sem_o):
    wid = lax.axis_index("s") * 2 + lax.axis_index("c")
    b0 = pl.multiple_of(wid * _BPW, _BPW)

    pltpu.sync_copy(pos_hbm, pos_v)
    pltpu.sync_copy(gam_hbm, g_v)
    pltpu.sync_copy(bet_hbm, b_v)
    pltpu.sync_copy(ids_hbm.at[pl.ds(b0, _GRP), :], idx_v)
    gk = [g_v[pl.ds(k * 16, 16)] for k in range(4)]
    bk = [b_v[pl.ds(k * 16, 16)] for k in range(4)]

    inv_h = jnp.float32(1.0 / _H)
    perms = [(lax.iota(jnp.int32, 16) ^ jnp.int32(k))[:, None]
             for k in (1, 2, 4, 8)]
    rows_bufs = (rows0, rows1)
    out_bufs = (out0, out1)
    drain_rows_src = wemb_hbm.at[pl.ds(0, _S)]
    drain_out_src = out_hbm.at[0]

    def fire_gather(c, buf):
        row = c % _GRP
        for off, n in _STREAMS:
            pltpu.async_copy(
                wemb_hbm.at[idx_v.at[row, pl.ds(off, n)]],
                buf.at[pl.ds(off, n)], sem_g)

    fire_gather(0, rows0)

    def seq_pair(p, carry):
        for b in range(2):
            rows_b = rows_bufs[b]
            out_b = out_bufs[b]
            c = p * 2 + b
            nxt = c + 1

            pltpu.make_async_copy(drain_rows_src, rows_b, sem_g).wait()

            @pl.when(jnp.logical_and(nxt % _GRP == 0, nxt < _BPW))
            def _():
                off = pl.multiple_of(b0 + nxt, _GRP)
                pltpu.sync_copy(ids_hbm.at[pl.ds(off, _GRP), :], idx_v)

            @pl.when(nxt < _BPW)
            def _():
                fire_gather(nxt, rows_bufs[1 - b])

            @pl.when(p > 0)
            def _():
                pltpu.make_async_copy(drain_out_src, out_b, sem_o).wait()

            @plsc.parallel_loop(0, _S, unroll=4)
            def row_body(t):
                x = [rows_b[t, pl.ds(k * 16, 16)]
                     + pos_v[t, pl.ds(k * 16, 16)] for k in range(4)]
                sv = (x[0] + x[1]) + (x[2] + x[3])
                q = (x[0] * x[0] + x[1] * x[1]) + (
                    x[2] * x[2] + x[3] * x[3])
                meanv = _allsum16(sv, perms) * inv_h
                varv = _allsum16(q, perms) * inv_h - meanv * meanv
                varv = jnp.maximum(varv, jnp.float32(0.0))
                rstd = _rsqrt16(varv + jnp.float32(_EPS))
                for k in range(4):
                    y = (x[k] - meanv) * rstd * gk[k] + bk[k]
                    out_b[t, pl.ds(k * 16, 16)] = y

            pltpu.async_copy(out_b, out_hbm.at[b0 + c], sem_o)
        return carry

    lax.fori_loop(0, _BPW // 2, seq_pair, 0, unroll=False)

    pltpu.make_async_copy(drain_out_src, out0, sem_o).wait()
    pltpu.make_async_copy(drain_out_src, out1, sem_o).wait()


_emb_ln = functools.partial(
    pl.kernel,
    mesh=plsc.VectorSubcoreMesh(core_axis_name="c", subcore_axis_name="s"),
    compiler_params=pltpu.CompilerParams(use_tc_tiling_on_sc=True),
    out_type=jax.ShapeDtypeStruct((_B, _S, _H), jnp.float32),
    scratch_types=[
        pltpu.VMEM((_GRP, _S), jnp.int32),
        pltpu.VMEM((_S, _HP), jnp.float32),
        pltpu.VMEM((_S, _HP), jnp.float32),
        pltpu.VMEM((_S, _H), jnp.float32),
        pltpu.VMEM((_S, _H), jnp.float32),
        pltpu.VMEM((_S, _H), jnp.float32),
        pltpu.VMEM((_H,), jnp.float32),
        pltpu.VMEM((_H,), jnp.float32),
        pltpu.SemaphoreType.DMA,
        pltpu.SemaphoreType.DMA,
    ],
)(_body)


def kernel(input_ids, word_emb, pos_emb, ln_gamma, ln_beta):
    if input_ids.dtype != jnp.int32:
        input_ids = input_ids.astype(jnp.int32)
    w128 = jnp.pad(word_emb, ((0, 0), (0, _HP - _H)))
    return _emb_ln(input_ids, w128, pos_emb, ln_gamma, ln_beta)

# --- scband reference (transcript-rebuilt; emitter-appended) ---
"""Pipeline reference for scband-embeddings-46394236731960 (READ-ONLY COPY).

The authoritative reference and input builder live on the scoring server;
editing this copy changes nothing except your own understanding.
"""

import jax, jax.numpy as jnp
import numpy as np

VOCAB = 1000000
HIDDEN = 64
MAX_POS = 200
BATCH = 4096
SEQ = 200
EPS = 1e-12

def setup_inputs(seed: int = 0) -> dict:
    key = jax.random.key(seed)
    k1, k2, k3 = jax.random.split(key, 3)
    input_ids = jax.random.randint(k1, (BATCH, SEQ), 0, VOCAB, dtype=jnp.int64) if jax.config.jax_enable_x64 else jax.random.randint(k1, (BATCH, SEQ), 0, VOCAB, dtype=jnp.int32)
    word_emb = jax.random.normal(k2, (VOCAB + 1, HIDDEN), dtype=jnp.float32) * 0.02
    pos_emb = jax.random.normal(k3, (MAX_POS, HIDDEN), dtype=jnp.float32) * 0.02
    ln_gamma = jnp.ones((HIDDEN,), dtype=jnp.float32)
    ln_beta = jnp.zeros((HIDDEN,), dtype=jnp.float32)
    return {"input_ids": input_ids, "word_emb": word_emb, "pos_emb": pos_emb, "ln_gamma": ln_gamma, "ln_beta": ln_beta}

def _layer_norm(x, gamma, beta):
    mean = jnp.mean(x, axis=-1, keepdims=True)
    var = jnp.mean(jnp.square(x - mean), axis=-1, keepdims=True)
    return gamma * (x - mean) / jnp.sqrt(var + EPS) + beta

def reference(input_ids, word_emb, pos_emb, ln_gamma, ln_beta):
    seq_length = input_ids.shape[1]
    position_ids = jnp.arange(seq_length, dtype=input_ids.dtype)
    position_ids = jnp.broadcast_to(position_ids[None, :], input_ids.shape)
    words_embeddings = jnp.take(word_emb, input_ids, axis=0)
    position_embeddings = jnp.take(pos_emb, position_ids, axis=0)
    embeddings = words_embeddings + position_embeddings
    embeddings = _layer_norm(embeddings, ln_gamma, ln_beta)
    # dropout p=0.0 -> identity (eval semantics)
    return embeddings

if __name__ == "__main__":
    import jax
    _d = setup_inputs()
    print(jax.jit(kernel)(*tuple(_d.values())))

</pallas_src>

<mosaic_0001>
#map = affine_map<(d0, d1) -> (0, 0)>
#map1 = affine_map<(d0, d1) -> (0)>
#map2 = affine_map<(d0, d1) -> (0, 0, 0)>
module attributes {stable_mosaic.version = 14 : i64} {
  func.func @_body(%arg0: i32, %arg1: i32, %arg2: memref<4096x200xi32, #tpu.memory_space<hbm>>, %arg3: memref<1000001x128xf32, #tpu.memory_space<hbm>>, %arg4: memref<200x64xf32, #tpu.memory_space<hbm>>, %arg5: memref<64xf32, #tpu.memory_space<hbm>>, %arg6: memref<64xf32, #tpu.memory_space<hbm>>, %arg7: memref<4096x200x64xf32, #tpu.memory_space<hbm>>, %arg8: memref<8x200xi32, #tpu.memory_space<vmem>>, %arg9: memref<200x128xf32, #tpu.memory_space<vmem>>, %arg10: memref<200x128xf32, #tpu.memory_space<vmem>>, %arg11: memref<200x64xf32, #tpu.memory_space<vmem>>, %arg12: memref<200x64xf32, #tpu.memory_space<vmem>>, %arg13: memref<200x64xf32, #tpu.memory_space<vmem>>, %arg14: memref<64xf32, #tpu.memory_space<vmem>>, %arg15: memref<64xf32, #tpu.memory_space<vmem>>, %arg16: memref<!tpu.dma_semaphore, #tpu.memory_space<semaphore_mem>>, %arg17: memref<!tpu.dma_semaphore, #tpu.memory_space<semaphore_mem>>) attributes {dimension_semantics = [#tpu.dimension_semantics<core_parallel>, #tpu.dimension_semantics<subcore_parallel>], iteration_bounds = array<i64: 2, 16>, scalar_prefetch = 0 : i64, scratch_operands = 10 : i64, tpu.core_type = #tpu.core_type<sc_vector_subcore>, window_params = [{transform_indices = #map}, {transform_indices = #map}, {transform_indices = #map}, {transform_indices = #map1}, {transform_indices = #map1}, {transform_indices = #map2}]} {
    %mul3A = arith.constant 2 : i32
    %mul3A_0 = arith.muli %arg1, %mul3A : i32
    %add3A = arith.addi %mul3A_0, %arg0 : i32
    %mul3A_1 = arith.constant 128 : i32
    %mul3A_2 = arith.muli %add3A, %mul3A_1 : i32
    %multiple_of3A = tpu.assume_multiple %mul3A_2, 128 : i32
    "tpu.region"() ({
      %run_scoped3A = tpu.sem_alloc : memref<!tpu.dma_semaphore, #tpu.memory_space<semaphore_mem>>
      tpu.enqueue_dma source(%arg4 : memref<200x64xf32, #tpu.memory_space<hbm>>) target(%arg13 : memref<200x64xf32, #tpu.memory_space<vmem>>) target_semaphore(%run_scoped3A : memref<!tpu.dma_semaphore, #tpu.memory_space<semaphore_mem>>)
      tpu.wait_dma2 semaphore(%run_scoped3A : memref<!tpu.dma_semaphore, #tpu.memory_space<semaphore_mem>>) src(%arg4 : memref<200x64xf32, #tpu.memory_space<hbm>>) dst(%arg13 : memref<200x64xf32, #tpu.memory_space<vmem>>)
      tpu.yield
    }) : () -> ()
    "tpu.region"() ({
      %run_scoped3A = tpu.sem_alloc : memref<!tpu.dma_semaphore, #tpu.memory_space<semaphore_mem>>
      tpu.enqueue_dma source(%arg5 : memref<64xf32, #tpu.memory_space<hbm>>) target(%arg14 : memref<64xf32, #tpu.memory_space<vmem>>) target_semaphore(%run_scoped3A : memref<!tpu.dma_semaphore, #tpu.memory_space<semaphore_mem>>)
      tpu.wait_dma2 semaphore(%run_scoped3A : memref<!tpu.dma_semaphore, #tpu.memory_space<semaphore_mem>>) src(%arg5 : memref<64xf32, #tpu.memory_space<hbm>>) dst(%arg14 : memref<64xf32, #tpu.memory_space<vmem>>)
      tpu.yield
    }) : () -> ()
    "tpu.region"() ({
      %run_scoped3A = tpu.sem_alloc : memref<!tpu.dma_semaphore, #tpu.memory_space<semaphore_mem>>
      tpu.enqueue_dma source(%arg6 : memref<64xf32, #tpu.memory_space<hbm>>) target(%arg15 : memref<64xf32, #tpu.memory_space<vmem>>) target_semaphore(%run_scoped3A : memref<!tpu.dma_semaphore, #tpu.memory_space<semaphore_mem>>)
      tpu.wait_dma2 semaphore(%run_scoped3A : memref<!tpu.dma_semaphore, #tpu.memory_space<semaphore_mem>>) src(%arg6 : memref<64xf32, #tpu.memory_space<hbm>>) dst(%arg15 : memref<64xf32, #tpu.memory_space<vmem>>)
      tpu.yield
    }) : () -> ()
    "tpu.region"() ({
      %run_scoped3A = tpu.sem_alloc : memref<!tpu.dma_semaphore, #tpu.memory_space<semaphore_mem>>
      %dma_start3A_86 = arith.constant 0 : i32
      %dma_start3A_87 = tpu.memref_slice %arg2[%multiple_of3A, %dma_start3A_86] : memref<4096x200xi32, #tpu.memory_space<hbm>> -> memref<8x200xi32, #tpu.memory_space<hbm>>
      %dma_start3A_88 = arith.constant 0 : i32
      %dma_start3A_89 = tpu.memref_slice %arg2[%multiple_of3A, %dma_start3A_88] : memref<4096x200xi32, #tpu.memory_space<hbm>> -> memref<8x200xi32, #tpu.memory_space<hbm>>
      tpu.enqueue_dma source(%dma_start3A_89 : memref<8x200xi32, #tpu.memory_space<hbm>>) target(%arg8 : memref<8x200xi32, #tpu.memory_space<vmem>>) target_semaphore(%run_scoped3A : memref<!tpu.dma_semaphore, #tpu.memory_space<semaphore_mem>>)
      %dma_wait3A_90 = arith.constant 0 : i32
      %dma_wait3A_91 = tpu.memref_slice %arg2[%multiple_of3A, %dma_wait3A_90] : memref<4096x200xi32, #tpu.memory_space<hbm>> -> memref<8x200xi32, #tpu.memory_space<hbm>>
      %dma_wait3A_92 = arith.constant 0 : i32
      %dma_wait3A_93 = tpu.memref_slice %arg2[%multiple_of3A, %dma_wait3A_92] : memref<4096x200xi32, #tpu.memory_space<hbm>> -> memref<8x200xi32, #tpu.memory_space<hbm>>
      tpu.wait_dma2 semaphore(%run_scoped3A : memref<!tpu.dma_semaphore, #tpu.memory_space<semaphore_mem>>) src(%dma_wait3A_93 : memref<8x200xi32, #tpu.memory_space<hbm>>) dst(%arg8 : memref<8x200xi32, #tpu.memory_space<vmem>>)
      tpu.yield
    }) : () -> ()
    %get3A = arith.constant 0 : index
    %get3A_3 = tpu.vector_load %arg14[%get3A] {strides = array<i32>} : memref<64xf32, #tpu.memory_space<vmem>>, vector<16xf32>,
    %get3A_4 = vector.shape_cast %get3A_3 : vector<16xf32> to vector<16xf32>
    %get3A_5 = arith.constant 16 : index
    %get3A_6 = tpu.vector_load %arg14[%get3A_5] {strides = array<i32>} : memref<64xf32, #tpu.memory_space<vmem>>, vector<16xf32>,
    %get3A_7 = vector.shape_cast %get3A_6 : vector<16xf32> to vector<16xf32>
    %get3A_8 = arith.constant 32 : index
    %get3A_9 = tpu.vector_load %arg14[%get3A_8] {strides = array<i32>} : memref<64xf32, #tpu.memory_space<vmem>>, vector<16xf32>,
    %get3A_10 = vector.shape_cast %get3A_9 : vector<16xf32> to vector<16xf32>
    %get3A_11 = arith.constant 48 : index
    %get3A_12 = tpu.vector_load %arg14[%get3A_11] {strides = array<i32>} : memref<64xf32, #tpu.memory_space<vmem>>, vector<16xf32>,
    %get3A_13 = vector.shape_cast %get3A_12 : vector<16xf32> to vector<16xf32>
    %get3A_14 = arith.constant 0 : index
    %get3A_15 = tpu.vector_load %arg15[%get3A_14] {strides = array<i32>} : memref<64xf32, #tpu.memory_space<vmem>>, vector<16xf32>,
    %get3A_16 = vector.shape_cast %get3A_15 : vector<16xf32> to vector<16xf32>
    %get3A_17 = arith.constant 16 : index
    %get3A_18 = tpu.vector_load %arg15[%get3A_17] {strides = array<i32>} : memref<64xf32, #tpu.memory_space<vmem>>, vector<16xf32>,
    %get3A_19 = vector.shape_cast %get3A_18 : vector<16xf32> to vector<16xf32>
    %get3A_20 = arith.constant 32 : index
    %get3A_21 = tpu.vector_load %arg15[%get3A_20] {strides = array<i32>} : memref<64xf32, #tpu.memory_space<vmem>>, vector<16xf32>,
    %get3A_22 = vector.shape_cast %get3A_21 : vector<16xf32> to vector<16xf32>
    %get3A_23 = arith.constant 48 : index
    %get3A_24 = tpu.vector_load %arg15[%get3A_23] {strides = array<i32>} : memref<64xf32, #tpu.memory_space<vmem>>, vector<16xf32>,
    %get3A_25 = vector.shape_cast %get3A_24 : vector<16xf32> to vector<16xf32>
    %iota3A = tpu.iota {dimensions = array<i32: 0>} : vector<16xi32>
    %xor3A = arith.constant 1 : i32
    %xor3A_26 = vector.broadcast %xor3A : i32 to vector<16xi32>
    %xor3A_27 = arith.xori %iota3A, %xor3A_26 : vector<16xi32>
    %broadcast_in_dim3A = vector.shape_cast %xor3A_27 : vector<16xi32> to vector<16x1xi32>
    %iota3A_28 = tpu.iota {dimensions = array<i32: 0>} : vector<16xi32>
    %xor3A_29 = arith.constant 2 : i32
    %xor3A_30 = vector.broadcast %xor3A_29 : i32 to vector<16xi32>
    %xor3A_31 = arith.xori %iota3A_28, %xor3A_30 : vector<16xi32>
    %broadcast_in_dim3A_32 = vector.shape_cast %xor3A_31 : vector<16xi32> to vector<16x1xi32>
    %iota3A_33 = tpu.iota {dimensions = array<i32: 0>} : vector<16xi32>
    %xor3A_34 = arith.constant 4 : i32
    %xor3A_35 = vector.broadcast %xor3A_34 : i32 to vector<16xi32>
    %xor3A_36 = arith.xori %iota3A_33, %xor3A_35 : vector<16xi32>
    %broadcast_in_dim3A_37 = vector.shape_cast %xor3A_36 : vector<16xi32> to vector<16x1xi32>
    %iota3A_38 = tpu.iota {dimensions = array<i32: 0>} : vector<16xi32>
    %xor3A_39 = arith.constant 8 : i32
    %xor3A_40 = vector.broadcast %xor3A_39 : i32 to vector<16xi32>
    %xor3A_41 = arith.xori %iota3A_38, %xor3A_40 : vector<16xi32>
    %broadcast_in_dim3A_42 = vector.shape_cast %xor3A_41 : vector<16xi32> to vector<16x1xi32>
    %dma_start3A = arith.constant 0 : i32
    %dma_start3A_43 = arith.constant 0 : i32
    %dma_start3A_44 = arith.constant 0 : i32
    %dma_start3A_45 = tpu.memref_slice %arg9[%dma_start3A_43, %dma_start3A_44] : memref<200x128xf32, #tpu.memory_space<vmem>> -> memref<128x128xf32, #tpu.memory_space<vmem>>
    %dma_start3A_46 = arith.constant 0 : i32
    %dma_start3A_47 = tpu.memref_slice %arg8[%dma_start3A, %dma_start3A_46] : memref<8x200xi32, #tpu.memory_space<vmem>> -> memref<1x128xi32, #tpu.memory_space<vmem>>
    %dma_start3A_48 = tpu.memref_squeeze %dma_start3A_47 : memref<1x128xi32, #tpu.memory_space<vmem>> -> memref<128xi32, #tpu.memory_space<vmem>>
    %dma_start3A_49 = arith.constant 0 : i32
    %dma_start3A_50 = arith.constant 0 : i32
    %dma_start3A_51 = tpu.memref_slice %arg3[%dma_start3A_49, %dma_start3A_50] : memref<1000001x128xf32, #tpu.memory_space<hbm>> -> memref<1000001x128xf32, #tpu.memory_space<hbm>>
    tpu.enqueue_indirect_dma source(%dma_start3A_51 : memref<1000001x128xf32, #tpu.memory_space<hbm>>) target(%dma_start3A_45 : memref<128x128xf32, #tpu.memory_space<vmem>>) offsets(%dma_start3A_48 : memref<128xi32, #tpu.memory_space<vmem>>) semaphore(%arg16 : memref<!tpu.dma_semaphore, #tpu.memory_space<semaphore_mem>>)
    %dma_start3A_52 = arith.constant 0 : i32
    %dma_start3A_53 = arith.constant 128 : i32
    %dma_start3A_54 = arith.constant 0 : i32
    %dma_start3A_55 = tpu.memref_slice %arg9[%dma_start3A_53, %dma_start3A_54] : memref<200x128xf32, #tpu.memory_space<vmem>> -> memref<72x128xf32, #tpu.memory_space<vmem>>
    %dma_start3A_56 = arith.constant 128 : i32
    %dma_start3A_57 = tpu.memref_slice %arg8[%dma_start3A_52, %dma_start3A_56] : memref<8x200xi32, #tpu.memory_space<vmem>> -> memref<1x72xi32, #tpu.memory_space<vmem>>
    %dma_start3A_58 = tpu.memref_squeeze %dma_start3A_57 : memref<1x72xi32, #tpu.memory_space<vmem>> -> memref<72xi32, #tpu.memory_space<vmem>>
    %dma_start3A_59 = arith.constant 0 : i32
    %dma_start3A_60 = arith.constant 0 : i32
    %dma_start3A_61 = tpu.memref_slice %arg3[%dma_start3A_59, %dma_start3A_60] : memref<1000001x128xf32, #tpu.memory_space<hbm>> -> memref<1000001x128xf32, #tpu.memory_space<hbm>>
    tpu.enqueue_indirect_dma source(%dma_start3A_61 : memref<1000001x128xf32, #tpu.memory_space<hbm>>) target(%dma_start3A_55 : memref<72x128xf32, #tpu.memory_space<vmem>>) offsets(%dma_start3A_58 : memref<72xi32, #tpu.memory_space<vmem>>) semaphore(%arg16 : memref<!tpu.dma_semaphore, #tpu.memory_space<semaphore_mem>>)
    %scan3A = arith.constant 0 : i32
    %scan3A_62 = arith.constant 0 : i32
    %scan3A_63 = arith.constant 1.562500e-02 : f32
    %scan3A_64 = arith.constant 0 : i32
    %scan3A_65 = arith.constant 64 : i32
    %scan3A_66 = arith.addi %scan3A_64, %scan3A_65 : i32
    %scan3A_67 = arith.constant 1 : i32
    scf.for %scan3A_86 = %scan3A_64 to %scan3A_66 step %scan3A_67  : i32 {
      %mul3A_87 = arith.constant 2 : i32
      %mul3A_88 = arith.muli %scan3A_86, %mul3A_87 : i32
      %add3A_89 = arith.constant 0 : i32
      %add3A_90 = arith.addi %mul3A_88, %add3A_89 : i32
      %add3A_91 = arith.constant 1 : i32
      %add3A_92 = arith.addi %add3A_90, %add3A_91 : i32
      %dma_wait3A_93 = arith.constant 0 : i32
      %dma_wait3A_94 = arith.constant 0 : i32
      %dma_wait3A_95 = tpu.memref_slice %arg3[%dma_wait3A_93, %dma_wait3A_94] : memref<1000001x128xf32, #tpu.memory_space<hbm>> -> memref<200x128xf32, #tpu.memory_space<hbm>>
      %dma_wait3A_96 = arith.constant 0 : i32
      %dma_wait3A_97 = arith.constant 0 : i32
      %dma_wait3A_98 = tpu.memref_slice %arg3[%dma_wait3A_96, %dma_wait3A_97] : memref<1000001x128xf32, #tpu.memory_space<hbm>> -> memref<200x128xf32, #tpu.memory_space<hbm>>
      tpu.wait_dma2 semaphore(%arg16 : memref<!tpu.dma_semaphore, #tpu.memory_space<semaphore_mem>>) src(%dma_wait3A_98 : memref<200x128xf32, #tpu.memory_space<hbm>>) dst(%arg9 : memref<200x128xf32, #tpu.memory_space<vmem>>)
      %jit3A = arith.constant 8 : i32
      %eq3A = arith.constant 0 : i32
      %eq3A_99 = arith.cmpi eq, %jit3A, %eq3A : i32
      %jit3A_100 = arith.constant 1 : i32
      %select_n3A = arith.select %eq3A_99, %jit3A_100, %jit3A : i32
      %rem3A = arith.remsi %add3A_92, %select_n3A : i32
      %ne3A = arith.constant 0 : i32
      %ne3A_101 = arith.cmpi ne, %rem3A, %ne3A : i32
      %lt3A = arith.constant 0 : i32
      %lt3A_102 = arith.cmpi slt, %rem3A, %lt3A : i32
      %lt3A_103 = arith.constant 0 : i32
      %lt3A_104 = arith.cmpi slt, %select_n3A, %lt3A_103 : i32
      %ne3A_105 = arith.xori %lt3A_102, %lt3A_104 : i1
      %and3A = arith.andi %ne3A_105, %ne3A_101 : i1
      %add3A_106 = arith.addi %rem3A, %select_n3A : i32
      %select_n3A_107 = arith.select %and3A, %add3A_106, %rem3A : i32
      %eq3A_108 = arith.constant 0 : i32
      %eq3A_109 = arith.cmpi eq, %select_n3A_107, %eq3A_108 : i32
      %lt3A_110 = arith.constant 128 : i32
      %lt3A_111 = arith.cmpi slt, %add3A_92, %lt3A_110 : i32
      %and3A_112 = arith.andi %eq3A_109, %lt3A_111 : i1
      %convert_element_type3A = arith.extui %and3A_112 : i1 to i32
      %cond3A = arith.constant 0 : i32
      %cond3A_113 = arith.cmpi ne, %convert_element_type3A, %cond3A : i32
      scf.if %cond3A_113 {
        %add3A_192 = arith.addi %multiple_of3A, %add3A_92 : i32
        %multiple_of3A_193 = tpu.assume_multiple %add3A_192, 8 : i32
        "tpu.region"() ({
          %run_scoped3A = tpu.sem_alloc : memref<!tpu.dma_semaphore, #tpu.memory_space<semaphore_mem>>
          %dma_start3A_194 = arith.constant 0 : i32
          %dma_start3A_195 = tpu.memref_slice %arg2[%multiple_of3A_193, %dma_start3A_194] : memref<4096x200xi32, #tpu.memory_space<hbm>> -> memref<8x200xi32, #tpu.memory_space<hbm>>
          %dma_start3A_196 = arith.constant 0 : i32
          %dma_start3A_197 = tpu.memref_slice %arg2[%multiple_of3A_193, %dma_start3A_196] : memref<4096x200xi32, #tpu.memory_space<hbm>> -> memref<8x200xi32, #tpu.memory_space<hbm>>
          tpu.enqueue_dma source(%dma_start3A_197 : memref<8x200xi32, #tpu.memory_space<hbm>>) target(%arg8 : memref<8x200xi32, #tpu.memory_space<vmem>>) target_semaphore(%run_scoped3A : memref<!tpu.dma_semaphore, #tpu.memory_space<semaphore_mem>>)
          %dma_wait3A_198 = arith.constant 0 : i32
          %dma_wait3A_199 = tpu.memref_slice %arg2[%multiple_of3A_193, %dma_wait3A_198] : memref<4096x200xi32, #tpu.memory_space<hbm>> -> memref<8x200xi32, #tpu.memory_space<hbm>>
          %dma_wait3A_200 = arith.constant 0 : i32
          %dma_wait3A_201 = tpu.memref_slice %arg2[%multiple_of3A_193, %dma_wait3A_200] : memref<4096x200xi32, #tpu.memory_space<hbm>> -> memref<8x200xi32, #tpu.memory_space<hbm>>
          tpu.wait_dma2 semaphore(%run_scoped3A : memref<!tpu.dma_semaphore, #tpu.memory_space<semaphore_mem>>) src(%dma_wait3A_201 : memref<8x200xi32, #tpu.memory_space<hbm>>) dst(%arg8 : memref<8x200xi32, #tpu.memory_space<vmem>>)
          tpu.yield
        }) : () -> ()
      } else {
      }
      %lt3A_114 = arith.constant 128 : i32
      %lt3A_115 = arith.cmpi slt, %add3A_92, %lt3A_114 : i32
      %convert_element_type3A_116 = arith.extui %lt3A_115 : i1 to i32
      %cond3A_117 = arith.constant 0 : i32
      %cond3A_118 = arith.cmpi ne, %convert_element_type3A_116, %cond3A_117 : i32
      scf.if %cond3A_118 {
        %jit3A_192 = arith.constant 8 : i32
        %eq3A_193 = arith.constant 0 : i32
        %eq3A_194 = arith.cmpi eq, %jit3A_192, %eq3A_193 : i32
        %jit3A_195 = arith.constant 1 : i32
        %select_n3A_196 = arith.select %eq3A_194, %jit3A_195, %jit3A_192 : i32
        %rem3A_197 = arith.remsi %add3A_92, %select_n3A_196 : i32
        %ne3A_198 = arith.constant 0 : i32
        %ne3A_199 = arith.cmpi ne, %rem3A_197, %ne3A_198 : i32
        %lt3A_200 = arith.constant 0 : i32
        %lt3A_201 = arith.cmpi slt, %rem3A_197, %lt3A_200 : i32
        %lt3A_202 = arith.constant 0 : i32
        %lt3A_203 = arith.cmpi slt, %select_n3A_196, %lt3A_202 : i32
        %ne3A_204 = arith.xori %lt3A_201, %lt3A_203 : i1
        %and3A_205 = arith.andi %ne3A_204, %ne3A_199 : i1
        %add3A_206 = arith.addi %rem3A_197, %select_n3A_196 : i32
        %select_n3A_207 = arith.select %and3A_205, %add3A_206, %rem3A_197 : i32
        %dma_start3A_208 = arith.constant 0 : i32
        %dma_start3A_209 = arith.constant 0 : i32
        %dma_start3A_210 = tpu.memref_slice %arg10[%dma_start3A_208, %dma_start3A_209] : memref<200x128xf32, #tpu.memory_space<vmem>> -> memref<128x128xf32, #tpu.memory_space<vmem>>
        %dma_start3A_211 = arith.constant 0 : i32
        %dma_start3A_212 = tpu.memref_slice %arg8[%select_n3A_207, %dma_start3A_211] : memref<8x200xi32, #tpu.memory_space<vmem>> -> memref<1x128xi32, #tpu.memory_space<vmem>>
        %dma_start3A_213 = tpu.memref_squeeze %dma_start3A_212 : memref<1x128xi32, #tpu.memory_space<vmem>> -> memref<128xi32, #tpu.memory_space<vmem>>
        %dma_start3A_214 = arith.constant 0 : i32
        %dma_start3A_215 = arith.constant 0 : i32
        %dma_start3A_216 = tpu.memref_slice %arg3[%dma_start3A_214, %dma_start3A_215] : memref<1000001x128xf32, #tpu.memory_space<hbm>> -> memref<1000001x128xf32, #tpu.memory_space<hbm>>
        tpu.enqueue_indirect_dma source(%dma_start3A_216 : memref<1000001x128xf32, #tpu.memory_space<hbm>>) target(%dma_start3A_210 : memref<128x128xf32, #tpu.memory_space<vmem>>) offsets(%dma_start3A_213 : memref<128xi32, #tpu.memory_space<vmem>>) semaphore(%arg16 : memref<!tpu.dma_semaphore, #tpu.memory_space<semaphore_mem>>)
        %dma_start3A_217 = arith.constant 128 : i32
        %dma_start3A_218 = arith.constant 0 : i32
        %dma_start3A_219 = tpu.memref_slice %arg10[%dma_start3A_217, %dma_start3A_218] : memref<200x128xf32, #tpu.memory_space<vmem>> -> memref<72x128xf32, #tpu.memory_space<vmem>>
        %dma_start3A_220 = arith.constant 128 : i32
        %dma_start3A_221 = tpu.memref_slice %arg8[%select_n3A_207, %dma_start3A_220] : memref<8x200xi32, #tpu.memory_space<vmem>> -> memref<1x72xi32, #tpu.memory_space<vmem>>
        %dma_start3A_222 = tpu.memref_squeeze %dma_start3A_221 : memref<1x72xi32, #tpu.memory_space<vmem>> -> memref<72xi32, #tpu.memory_space<vmem>>
        %dma_start3A_223 = arith.constant 0 : i32
        %dma_start3A_224 = arith.constant 0 : i32
        %dma_start3A_225 = tpu.memref_slice %arg3[%dma_start3A_223, %dma_start3A_224] : memref<1000001x128xf32, #tpu.memory_space<hbm>> -> memref<1000001x128xf32, #tpu.memory_space<hbm>>
        tpu.enqueue_indirect_dma source(%dma_start3A_225 : memref<1000001x128xf32, #tpu.memory_space<hbm>>) target(%dma_start3A_219 : memref<72x128xf32, #tpu.memory_space<vmem>>) offsets(%dma_start3A_222 : memref<72xi32, #tpu.memory_space<vmem>>) semaphore(%arg16 : memref<!tpu.dma_semaphore, #tpu.memory_space<semaphore_mem>>)
      } else {
      }
      %gt3A = arith.constant 0 : i32
      %gt3A_119 = arith.cmpi sgt, %scan3A_86, %gt3A : i32
      %convert_element_type3A_120 = arith.extui %gt3A_119 : i1 to i32
      %cond3A_121 = arith.constant 0 : i32
      %cond3A_122 = arith.cmpi ne, %convert_element_type3A_120, %cond3A_121 : i32
      scf.if %cond3A_122 {
        %dma_wait3A_192 = arith.constant 0 : i32
        %dma_wait3A_193 = arith.constant 0 : i32
        %dma_wait3A_194 = tpu.memref_slice %arg7[%scan3A_62, %dma_wait3A_192, %dma_wait3A_193] : memref<4096x200x64xf32, #tpu.memory_space<hbm>> -> memref<1x200x64xf32, #tpu.memory_space<hbm>>
        %dma_wait3A_195 = tpu.memref_squeeze %dma_wait3A_194 : memref<1x200x64xf32, #tpu.memory_space<hbm>> -> memref<200x64xf32, #tpu.memory_space<hbm>>
        %dma_wait3A_196 = arith.constant 0 : i32
        %dma_wait3A_197 = arith.constant 0 : i32
        %dma_wait3A_198 = tpu.memref_slice %arg7[%scan3A_62, %dma_wait3A_196, %dma_wait3A_197] : memref<4096x200x64xf32, #tpu.memory_space<hbm>> -> memref<1x200x64xf32, #tpu.memory_space<hbm>>
        %dma_wait3A_199 = tpu.memref_squeeze %dma_wait3A_198 : memref<1x200x64xf32, #tpu.memory_space<hbm>> -> memref<200x64xf32, #tpu.memory_space<hbm>>
        tpu.wait_dma2 semaphore(%arg17 : memref<!tpu.dma_semaphore, #tpu.memory_space<semaphore_mem>>) src(%dma_wait3A_199 : memref<200x64xf32, #tpu.memory_space<hbm>>) dst(%arg11 : memref<200x64xf32, #tpu.memory_space<vmem>>)
      } else {
      }
      %parallel_loop3A = arith.constant 0 : i32
      %parallel_loop3A_123 = arith.constant 200 : i32
      %parallel_loop3A_124 = arith.constant 1 : i32
      scf.for %parallel_loop3A_192 = %parallel_loop3A to %parallel_loop3A_123 step %parallel_loop3A_124  : i32 {
        %parallel_loop3A_193 = arith.index_cast %parallel_loop3A_192 : i32 to index
        %parallel_loop3A_194 = arith.constant 0 : index
        %parallel_loop3A_195 = tpu.vector_load %arg9[%parallel_loop3A_193, %parallel_loop3A_194] {strides = array<i32>} : memref<200x128xf32, #tpu.memory_space<vmem>>, vector<1x16xf32>,
        %parallel_loop3A_196 = vector.shape_cast %parallel_loop3A_195 : vector<1x16xf32> to vector<16xf32>
        %parallel_loop3A_197 = arith.index_cast %parallel_loop3A_192 : i32 to index
        %parallel_loop3A_198 = arith.constant 0 : index
        %parallel_loop3A_199 = tpu.vector_load %arg13[%parallel_loop3A_197, %parallel_loop3A_198] {strides = array<i32>} : memref<200x64xf32, #tpu.memory_space<vmem>>, vector<1x16xf32>,
        %parallel_loop3A_200 = vector.shape_cast %parallel_loop3A_199 : vector<1x16xf32> to vector<16xf32>
        %parallel_loop3A_201 = arith.addf %parallel_loop3A_196, %parallel_loop3A_200 : vector<16xf32>
        %parallel_loop3A_202 = arith.index_cast %parallel_loop3A_192 : i32 to index
        %parallel_loop3A_203 = arith.constant 16 : index
        %parallel_loop3A_204 = tpu.vector_load %arg9[%parallel_loop3A_202, %parallel_loop3A_203] {strides = array<i32>} : memref<200x128xf32, #tpu.memory_space<vmem>>, vector<1x16xf32>,
        %parallel_loop3A_205 = vector.shape_cast %parallel_loop3A_204 : vector<1x16xf32> to vector<16xf32>
        %parallel_loop3A_206 = arith.index_cast %parallel_loop3A_192 : i32 to index
        %parallel_loop3A_207 = arith.constant 16 : index
        %parallel_loop3A_208 = tpu.vector_load %arg13[%parallel_loop3A_206, %parallel_loop3A_207] {strides = array<i32>} : memref<200x64xf32, #tpu.memory_space<vmem>>, vector<1x16xf32>,
        %parallel_loop3A_209 = vector.shape_cast %parallel_loop3A_208 : vector<1x16xf32> to vector<16xf32>
        %parallel_loop3A_210 = arith.addf %parallel_loop3A_205, %parallel_loop3A_209 : vector<16xf32>
        %parallel_loop3A_211 = arith.index_cast %parallel_loop3A_192 : i32 to index
        %parallel_loop3A_212 = arith.constant 32 : index
        %parallel_loop3A_213 = tpu.vector_load %arg9[%parallel_loop3A_211, %parallel_loop3A_212] {strides = array<i32>} : memref<200x128xf32, #tpu.memory_space<vmem>>, vector<1x16xf32>,
        %parallel_loop3A_214 = vector.shape_cast %parallel_loop3A_213 : vector<1x16xf32> to vector<16xf32>
        %parallel_loop3A_215 = arith.index_cast %parallel_loop3A_192 : i32 to index
        %parallel_loop3A_216 = arith.constant 32 : index
        %parallel_loop3A_217 = tpu.vector_load %arg13[%parallel_loop3A_215, %parallel_loop3A_216] {strides = array<i32>} : memref<200x64xf32, #tpu.memory_space<vmem>>, vector<1x16xf32>,
        %parallel_loop3A_218 = vector.shape_cast %parallel_loop3A_217 : vector<1x16xf32> to vector<16xf32>
        %parallel_loop3A_219 = arith.addf %parallel_loop3A_214, %parallel_loop3A_218 : vector<16xf32>
        %parallel_loop3A_220 = arith.index_cast %parallel_loop3A_192 : i32 to index
        %parallel_loop3A_221 = arith.constant 48 : index
        %parallel_loop3A_222 = tpu.vector_load %arg9[%parallel_loop3A_220, %parallel_loop3A_221] {strides = array<i32>} : memref<200x128xf32, #tpu.memory_space<vmem>>, vector<1x16xf32>,
        %parallel_loop3A_223 = vector.shape_cast %parallel_loop3A_222 : vector<1x16xf32> to vector<16xf32>
        %parallel_loop3A_224 = arith.index_cast %parallel_loop3A_192 : i32 to index
        %parallel_loop3A_225 = arith.constant 48 : index
        %parallel_loop3A_226 = tpu.vector_load %arg13[%parallel_loop3A_224, %parallel_loop3A_225] {strides = array<i32>} : memref<200x64xf32, #tpu.memory_space<vmem>>, vector<1x16xf32>,
        %parallel_loop3A_227 = vector.shape_cast %parallel_loop3A_226 : vector<1x16xf32> to vector<16xf32>
        %parallel_loop3A_228 = arith.addf %parallel_loop3A_223, %parallel_loop3A_227 : vector<16xf32>
        %parallel_loop3A_229 = arith.addf %parallel_loop3A_201, %parallel_loop3A_210 : vector<16xf32>
        %parallel_loop3A_230 = arith.addf %parallel_loop3A_219, %parallel_loop3A_228 : vector<16xf32>
        %parallel_loop3A_231 = arith.addf %parallel_loop3A_229, %parallel_loop3A_230 : vector<16xf32>
        %parallel_loop3A_232 = arith.mulf %parallel_loop3A_201, %parallel_loop3A_201 : vector<16xf32>
        %parallel_loop3A_233 = arith.mulf %parallel_loop3A_210, %parallel_loop3A_210 : vector<16xf32>
        %parallel_loop3A_234 = arith.addf %parallel_loop3A_232, %parallel_loop3A_233 : vector<16xf32>
        %parallel_loop3A_235 = arith.mulf %parallel_loop3A_219, %parallel_loop3A_219 : vector<16xf32>
        %parallel_loop3A_236 = arith.mulf %parallel_loop3A_228, %parallel_loop3A_228 : vector<16xf32>
        %parallel_loop3A_237 = arith.addf %parallel_loop3A_235, %parallel_loop3A_236 : vector<16xf32>
        %parallel_loop3A_238 = arith.addf %parallel_loop3A_234, %parallel_loop3A_237 : vector<16xf32>
        %parallel_loop3A_239 = vector.shape_cast %broadcast_in_dim3A : vector<16x1xi32> to vector<16xi32>
        %parallel_loop3A_240 = tpu.dynamic_gather %parallel_loop3A_231[%parallel_loop3A_239] in [0] : vector<16xf32>, vector<16xi32> -> vector<16xf32>
        %parallel_loop3A_241 = arith.addf %parallel_loop3A_231, %parallel_loop3A_240 : vector<16xf32>
        %parallel_loop3A_242 = vector.shape_cast %broadcast_in_dim3A_32 : vector<16x1xi32> to vector<16xi32>
        %parallel_loop3A_243 = tpu.dynamic_gather %parallel_loop3A_241[%parallel_loop3A_242] in [0] : vector<16xf32>, vector<16xi32> -> vector<16xf32>
        %parallel_loop3A_244 = arith.addf %parallel_loop3A_241, %parallel_loop3A_243 : vector<16xf32>
        %parallel_loop3A_245 = vector.shape_cast %broadcast_in_dim3A_37 : vector<16x1xi32> to vector<16xi32>
        %parallel_loop3A_246 = tpu.dynamic_gather %parallel_loop3A_244[%parallel_loop3A_245] in [0] : vector<16xf32>, vector<16xi32> -> vector<16xf32>
        %parallel_loop3A_247 = arith.addf %parallel_loop3A_244, %parallel_loop3A_246 : vector<16xf32>
        %parallel_loop3A_248 = vector.shape_cast %broadcast_in_dim3A_42 : vector<16x1xi32> to vector<16xi32>
        %parallel_loop3A_249 = tpu.dynamic_gather %parallel_loop3A_247[%parallel_loop3A_248] in [0] : vector<16xf32>, vector<16xi32> -> vector<16xf32>
        %parallel_loop3A_250 = arith.addf %parallel_loop3A_247, %parallel_loop3A_249 : vector<16xf32>
        %parallel_loop3A_251 = vector.broadcast %scan3A_63 : f32 to vector<16xf32>
        %parallel_loop3A_252 = arith.mulf %parallel_loop3A_250, %parallel_loop3A_251 : vector<16xf32>
        %parallel_loop3A_253 = vector.shape_cast %broadcast_in_dim3A : vector<16x1xi32> to vector<16xi32>
        %parallel_loop3A_254 = tpu.dynamic_gather %parallel_loop3A_238[%parallel_loop3A_253] in [0] : vector<16xf32>, vector<16xi32> -> vector<16xf32>
        %parallel_loop3A_255 = arith.addf %parallel_loop3A_238, %parallel_loop3A_254 : vector<16xf32>
        %parallel_loop3A_256 = vector.shape_cast %broadcast_in_dim3A_32 : vector<16x1xi32> to vector<16xi32>
        %parallel_loop3A_257 = tpu.dynamic_gather %parallel_loop3A_255[%parallel_loop3A_256] in [0] : vector<16xf32>, vector<16xi32> -> vector<16xf32>
        %parallel_loop3A_258 = arith.addf %parallel_loop3A_255, %parallel_loop3A_257 : vector<16xf32>
        %parallel_loop3A_259 = vector.shape_cast %broadcast_in_dim3A_37 : vector<16x1xi32> to vector<16xi32>
        %parallel_loop3A_260 = tpu.dynamic_gather %parallel_loop3A_258[%parallel_loop3A_259] in [0] : vector<16xf32>, vector<16xi32> -> vector<16xf32>
        %parallel_loop3A_261 = arith.addf %parallel_loop3A_258, %parallel_loop3A_260 : vector<16xf32>
        %parallel_loop3A_262 = vector.shape_cast %broadcast_in_dim3A_42 : vector<16x1xi32> to vector<16xi32>
        %parallel_loop3A_263 = tpu.dynamic_gather %parallel_loop3A_261[%parallel_loop3A_262] in [0] : vector<16xf32>, vector<16xi32> -> vector<16xf32>
        %parallel_loop3A_264 = arith.addf %parallel_loop3A_261, %parallel_loop3A_263 : vector<16xf32>
        %parallel_loop3A_265 = vector.broadcast %scan3A_63 : f32 to vector<16xf32>
        %parallel_loop3A_266 = arith.mulf %parallel_loop3A_264, %parallel_loop3A_265 : vector<16xf32>
        %parallel_loop3A_267 = arith.mulf %parallel_loop3A_252, %parallel_loop3A_252 : vector<16xf32>
        %parallel_loop3A_268 = arith.subf %parallel_loop3A_266, %parallel_loop3A_267 : vector<16xf32>
        %parallel_loop3A_269 = arith.constant 0.000000e+00 : f32
        %parallel_loop3A_270 = vector.broadcast %parallel_loop3A_269 : f32 to vector<16xf32>
        %parallel_loop3A_271 = arith.maximumf %parallel_loop3A_268, %parallel_loop3A_270 : vector<16xf32>
        %parallel_loop3A_272 = arith.constant 9.99999996E-13 : f32
        %parallel_loop3A_273 = vector.broadcast %parallel_loop3A_272 : f32 to vector<16xf32>
        %parallel_loop3A_274 = arith.addf %parallel_loop3A_271, %parallel_loop3A_273 : vector<16xf32>
        %parallel_loop3A_275 = tpu.bitcast %parallel_loop3A_274 : vector<16xf32> -> vector<16xi32>
        %parallel_loop3A_276 = arith.constant 1 : i32
        %parallel_loop3A_277 = vector.broadcast %parallel_loop3A_276 : i32 to vector<16xi32>
        %parallel_loop3A_278 = arith.shrsi %parallel_loop3A_275, %parallel_loop3A_277 : vector<16xi32>
        %parallel_loop3A_279 = arith.constant 1597463007 : i32
        %parallel_loop3A_280 = vector.broadcast %parallel_loop3A_279 : i32 to vector<16xi32>
        %parallel_loop3A_281 = arith.subi %parallel_loop3A_280, %parallel_loop3A_278 : vector<16xi32>
        %parallel_loop3A_282 = tpu.bitcast %parallel_loop3A_281 : vector<16xi32> -> vector<16xf32>
        %parallel_loop3A_283 = arith.constant 5.000000e-01 : f32
        %parallel_loop3A_284 = vector.broadcast %parallel_loop3A_283 : f32 to vector<16xf32>
        %parallel_loop3A_285 = arith.mulf %parallel_loop3A_274, %parallel_loop3A_284 : vector<16xf32>
        %parallel_loop3A_286 = arith.mulf %parallel_loop3A_285, %parallel_loop3A_282 : vector<16xf32>
        %parallel_loop3A_287 = arith.mulf %parallel_loop3A_286, %parallel_loop3A_282 : vector<16xf32>
        %parallel_loop3A_288 = arith.constant 1.500000e+00 : f32
        %parallel_loop3A_289 = vector.broadcast %parallel_loop3A_288 : f32 to vector<16xf32>
        %parallel_loop3A_290 = arith.subf %parallel_loop3A_289, %parallel_loop3A_287 : vector<16xf32>
        %parallel_loop3A_291 = arith.mulf %parallel_loop3A_282, %parallel_loop3A_290 : vector<16xf32>
        %parallel_loop3A_292 = arith.mulf %parallel_loop3A_285, %parallel_loop3A_291 : vector<16xf32>
        %parallel_loop3A_293 = arith.mulf %parallel_loop3A_292, %parallel_loop3A_291 : vector<16xf32>
        %parallel_loop3A_294 = arith.constant 1.500000e+00 : f32
        %parallel_loop3A_295 = vector.broadcast %parallel_loop3A_294 : f32 to vector<16xf32>
        %parallel_loop3A_296 = arith.subf %parallel_loop3A_295, %parallel_loop3A_293 : vector<16xf32>
        %parallel_loop3A_297 = arith.mulf %parallel_loop3A_291, %parallel_loop3A_296 : vector<16xf32>
        %parallel_loop3A_298 = arith.subf %parallel_loop3A_201, %parallel_loop3A_252 : vector<16xf32>
        %parallel_loop3A_299 = arith.mulf %parallel_loop3A_298, %parallel_loop3A_297 : vector<16xf32>
        %parallel_loop3A_300 = arith.mulf %parallel_loop3A_299, %get3A_4 : vector<16xf32>
        %parallel_loop3A_301 = arith.addf %parallel_loop3A_300, %get3A_16 : vector<16xf32>
        %parallel_loop3A_302 = arith.index_cast %parallel_loop3A_192 : i32 to index
        %parallel_loop3A_303 = arith.constant 0 : index
        %parallel_loop3A_304 = tpu.vector_load %arg11[%parallel_loop3A_302, %parallel_loop3A_303] {strides = array<i32>} : memref<200x64xf32, #tpu.memory_space<vmem>>, vector<1x16xf32>,
        %parallel_loop3A_305 = vector.shape_cast %parallel_loop3A_304 : vector<1x16xf32> to vector<16xf32>
        %parallel_loop3A_306 = vector.shape_cast %parallel_loop3A_301 : vector<16xf32> to vector<1x16xf32>
        tpu.vector_store %arg11[%parallel_loop3A_302, %parallel_loop3A_303], %parallel_loop3A_306 {strides = array<i32>} : memref<200x64xf32, #tpu.memory_space<vmem>>, vector<1x16xf32>,
        %parallel_loop3A_307 = arith.subf %parallel_loop3A_210, %parallel_loop3A_252 : vector<16xf32>
        %parallel_loop3A_308 = arith.mulf %parallel_loop3A_307, %parallel_loop3A_297 : vector<16xf32>
        %parallel_loop3A_309 = arith.mulf %parallel_loop3A_308, %get3A_7 : vector<16xf32>
        %parallel_loop3A_310 = arith.addf %parallel_loop3A_309, %get3A_19 : vector<16xf32>
        %parallel_loop3A_311 = arith.index_cast %parallel_loop3A_192 : i32 to index
        %parallel_loop3A_312 = arith.constant 16 : index
        %parallel_loop3A_313 = tpu.vector_load %arg11[%parallel_loop3A_311, %parallel_loop3A_312] {strides = array<i32>} : memref<200x64xf32, #tpu.memory_space<vmem>>, vector<1x16xf32>,
        %parallel_loop3A_314 = vector.shape_cast %parallel_loop3A_313 : vector<1x16xf32> to vector<16xf32>
        %parallel_loop3A_315 = vector.shape_cast %parallel_loop3A_310 : vector<16xf32> to vector<1x16xf32>
        tpu.vector_store %arg11[%parallel_loop3A_311, %parallel_loop3A_312], %parallel_loop3A_315 {strides = array<i32>} : memref<200x64xf32, #tpu.memory_space<vmem>>, vector<1x16xf32>,
        %parallel_loop3A_316 = arith.subf %parallel_loop3A_219, %parallel_loop3A_252 : vector<16xf32>
        %parallel_loop3A_317 = arith.mulf %parallel_loop3A_316, %parallel_loop3A_297 : vector<16xf32>
        %parallel_loop3A_318 = arith.mulf %parallel_loop3A_317, %get3A_10 : vector<16xf32>
        %parallel_loop3A_319 = arith.addf %parallel_loop3A_318, %get3A_22 : vector<16xf32>
        %parallel_loop3A_320 = arith.index_cast %parallel_loop3A_192 : i32 to index
        %parallel_loop3A_321 = arith.constant 32 : index
        %parallel_loop3A_322 = tpu.vector_load %arg11[%parallel_loop3A_320, %parallel_loop3A_321] {strides = array<i32>} : memref<200x64xf32, #tpu.memory_space<vmem>>, vector<1x16xf32>,
        %parallel_loop3A_323 = vector.shape_cast %parallel_loop3A_322 : vector<1x16xf32> to vector<16xf32>
        %parallel_loop3A_324 = vector.shape_cast %parallel_loop3A_319 : vector<16xf32> to vector<1x16xf32>
        tpu.vector_store %arg11[%parallel_loop3A_320, %parallel_loop3A_321], %parallel_loop3A_324 {strides = array<i32>} : memref<200x64xf32, #tpu.memory_space<vmem>>, vector<1x16xf32>,
        %parallel_loop3A_325 = arith.subf %parallel_loop3A_228, %parallel_loop3A_252 : vector<16xf32>
        %parallel_loop3A_326 = arith.mulf %parallel_loop3A_325, %parallel_loop3A_297 : vector<16xf32>
        %parallel_loop3A_327 = arith.mulf %parallel_loop3A_326, %get3A_13 : vector<16xf32>
        %parallel_loop3A_328 = arith.addf %parallel_loop3A_327, %get3A_25 : vector<16xf32>
        %parallel_loop3A_329 = arith.index_cast %parallel_loop3A_192 : i32 to index
        %parallel_loop3A_330 = arith.constant 48 : index
        %parallel_loop3A_331 = tpu.vector_load %arg11[%parallel_loop3A_329, %parallel_loop3A_330] {strides = array<i32>} : memref<200x64xf32, #tpu.memory_space<vmem>>, vector<1x16xf32>,
        %parallel_loop3A_332 = vector.shape_cast %parallel_loop3A_331 : vector<1x16xf32> to vector<16xf32>
        %parallel_loop3A_333 = vector.shape_cast %parallel_loop3A_328 : vector<16xf32> to vector<1x16xf32>
        tpu.vector_store %arg11[%parallel_loop3A_329, %parallel_loop3A_330], %parallel_loop3A_333 {strides = array<i32>} : memref<200x64xf32, #tpu.memory_space<vmem>>, vector<1x16xf32>,
      } {sc.loop_unroll_factor = 4 : i64, sc.parallel_access}
      %add3A_125 = arith.addi %multiple_of3A, %add3A_90 : i32
      %dma_start3A_126 = arith.constant 0 : i32
      %dma_start3A_127 = arith.constant 0 : i32
      %dma_start3A_128 = tpu.memref_slice %arg7[%add3A_125, %dma_start3A_126, %dma_start3A_127] : memref<4096x200x64xf32, #tpu.memory_space<hbm>> -> memref<1x200x64xf32, #tpu.memory_space<hbm>>
      %dma_start3A_129 = tpu.memref_squeeze %dma_start3A_128 : memref<1x200x64xf32, #tpu.memory_space<hbm>> -> memref<200x64xf32, #tpu.memory_space<hbm>>
      %dma_start3A_130 = arith.constant 0 : i32
      %dma_start3A_131 = arith.constant 0 : i32
      %dma_start3A_132 = tpu.memref_slice %arg7[%add3A_125, %dma_start3A_130, %dma_start3A_131] : memref<4096x200x64xf32, #tpu.memory_space<hbm>> -> memref<1x200x64xf32, #tpu.memory_space<hbm>>
      %dma_start3A_133 = tpu.memref_squeeze %dma_start3A_132 : memref<1x200x64xf32, #tpu.memory_space<hbm>> -> memref<200x64xf32, #tpu.memory_space<hbm>>
      tpu.enqueue_dma source(%arg11 : memref<200x64xf32, #tpu.memory_space<vmem>>) target(%dma_start3A_133 : memref<200x64xf32, #tpu.memory_space<hbm>>) target_semaphore(%arg17 : memref<!tpu.dma_semaphore, #tpu.memory_space<semaphore_mem>>)
      %mul3A_134 = arith.constant 2 : i32
      %mul3A_135 = arith.muli %scan3A_86, %mul3A_134 : i32
      %add3A_136 = arith.constant 1 : i32
      %add3A_137 = arith.addi %mul3A_135, %add3A_136 : i32
      %add3A_138 = arith.constant 1 : i32
      %add3A_139 = arith.addi %add3A_137, %add3A_138 : i32
      %dma_wait3A_140 = arith.constant 0 : i32
      %dma_wait3A_141 = arith.constant 0 : i32
      %dma_wait3A_142 = tpu.memref_slice %arg3[%dma_wait3A_140, %dma_wait3A_141] : memref<1000001x128xf32, #tpu.memory_space<hbm>> -> memref<200x128xf32, #tpu.memory_space<hbm>>
      %dma_wait3A_143 = arith.constant 0 : i32
      %dma_wait3A_144 = arith.constant 0 : i32
      %dma_wait3A_145 = tpu.memref_slice %arg3[%dma_wait3A_143, %dma_wait3A_144] : memref<1000001x128xf32, #tpu.memory_space<hbm>> -> memref<200x128xf32, #tpu.memory_space<hbm>>
      tpu.wait_dma2 semaphore(%arg16 : memref<!tpu.dma_semaphore, #tpu.memory_space<semaphore_mem>>) src(%dma_wait3A_145 : memref<200x128xf32, #tpu.memory_space<hbm>>) dst(%arg10 : memref<200x128xf32, #tpu.memory_space<vmem>>)
      %jit3A_146 = arith.constant 8 : i32
      %eq3A_147 = arith.constant 0 : i32
      %eq3A_148 = arith.cmpi eq, %jit3A_146, %eq3A_147 : i32
      %jit3A_149 = arith.constant 1 : i32
      %select_n3A_150 = arith.select %eq3A_148, %jit3A_149, %jit3A_146 : i32
      %rem3A_151 = arith.remsi %add3A_139, %select_n3A_150 : i32
      %ne3A_152 = arith.constant 0 : i32
      %ne3A_153 = arith.cmpi ne, %rem3A_151, %ne3A_152 : i32
      %lt3A_154 = arith.constant 0 : i32
      %lt3A_155 = arith.cmpi slt, %rem3A_151, %lt3A_154 : i32
      %lt3A_156 = arith.constant 0 : i32
      %lt3A_157 = arith.cmpi slt, %select_n3A_150, %lt3A_156 : i32
      %ne3A_158 = arith.xori %lt3A_155, %lt3A_157 : i1
      %and3A_159 = arith.andi %ne3A_158, %ne3A_153 : i1
      %add3A_160 = arith.addi %rem3A_151, %select_n3A_150 : i32
      %select_n3A_161 = arith.select %and3A_159, %add3A_160, %rem3A_151 : i32
      %eq3A_162 = arith.constant 0 : i32
      %eq3A_163 = arith.cmpi eq, %select_n3A_161, %eq3A_162 : i32
      %lt3A_164 = arith.constant 128 : i32
      %lt3A_165 = arith.cmpi slt, %add3A_139, %lt3A_164 : i32
      %and3A_166 = arith.andi %eq3A_163, %lt3A_165 : i1
      %convert_element_type3A_167 = arith.extui %and3A_166 : i1 to i32
      %cond3A_168 = arith.constant 0 : i32
      %cond3A_169 = arith.cmpi ne, %convert_element_type3A_167, %cond3A_168 : i32
      scf.if %cond3A_169 {
        %add3A_192 = arith.addi %multiple_of3A, %add3A_139 : i32
        %multiple_of3A_193 = tpu.assume_multiple %add3A_192, 8 : i32
        "tpu.region"() ({
          %run_scoped3A = tpu.sem_alloc : memref<!tpu.dma_semaphore, #tpu.memory_space<semaphore_mem>>
          %dma_start3A_194 = arith.constant 0 : i32
          %dma_start3A_195 = tpu.memref_slice %arg2[%multiple_of3A_193, %dma_start3A_194] : memref<4096x200xi32, #tpu.memory_space<hbm>> -> memref<8x200xi32, #tpu.memory_space<hbm>>
          %dma_start3A_196 = arith.constant 0 : i32
          %dma_start3A_197 = tpu.memref_slice %arg2[%multiple_of3A_193, %dma_start3A_196] : memref<4096x200xi32, #tpu.memory_space<hbm>> -> memref<8x200xi32, #tpu.memory_space<hbm>>
          tpu.enqueue_dma source(%dma_start3A_197 : memref<8x200xi32, #tpu.memory_space<hbm>>) target(%arg8 : memref<8x200xi32, #tpu.memory_space<vmem>>) target_semaphore(%run_scoped3A : memref<!tpu.dma_semaphore, #tpu.memory_space<semaphore_mem>>)
          %dma_wait3A_198 = arith.constant 0 : i32
          %dma_wait3A_199 = tpu.memref_slice %arg2[%multiple_of3A_193, %dma_wait3A_198] : memref<4096x200xi32, #tpu.memory_space<hbm>> -> memref<8x200xi32, #tpu.memory_space<hbm>>
          %dma_wait3A_200 = arith.constant 0 : i32
          %dma_wait3A_201 = tpu.memref_slice %arg2[%multiple_of3A_193, %dma_wait3A_200] : memref<4096x200xi32, #tpu.memory_space<hbm>> -> memref<8x200xi32, #tpu.memory_space<hbm>>
          tpu.wait_dma2 semaphore(%run_scoped3A : memref<!tpu.dma_semaphore, #tpu.memory_space<semaphore_mem>>) src(%dma_wait3A_201 : memref<8x200xi32, #tpu.memory_space<hbm>>) dst(%arg8 : memref<8x200xi32, #tpu.memory_space<vmem>>)
          tpu.yield
        }) : () -> ()
      } else {
      }
      %lt3A_170 = arith.constant 128 : i32
      %lt3A_171 = arith.cmpi slt, %add3A_139, %lt3A_170 : i32
      %convert_element_type3A_172 = arith.extui %lt3A_171 : i1 to i32
      %cond3A_173 = arith.constant 0 : i32
      %cond3A_174 = arith.cmpi ne, %convert_element_type3A_172, %cond3A_173 : i32
      scf.if %cond3A_174 {
        %jit3A_192 = arith.constant 8 : i32
        %eq3A_193 = arith.constant 0 : i32
        %eq3A_194 = arith.cmpi eq, %jit3A_192, %eq3A_193 : i32
        %jit3A_195 = arith.constant 1 : i32
        %select_n3A_196 = arith.select %eq3A_194, %jit3A_195, %jit3A_192 : i32
        %rem3A_197 = arith.remsi %add3A_139, %select_n3A_196 : i32
        %ne3A_198 = arith.constant 0 : i32
        %ne3A_199 = arith.cmpi ne, %rem3A_197, %ne3A_198 : i32
        %lt3A_200 = arith.constant 0 : i32
        %lt3A_201 = arith.cmpi slt, %rem3A_197, %lt3A_200 : i32
        %lt3A_202 = arith.constant 0 : i32
        %lt3A_203 = arith.cmpi slt, %select_n3A_196, %lt3A_202 : i32
        %ne3A_204 = arith.xori %lt3A_201, %lt3A_203 : i1
        %and3A_205 = arith.andi %ne3A_204, %ne3A_199 : i1
        %add3A_206 = arith.addi %rem3A_197, %select_n3A_196 : i32
        %select_n3A_207 = arith.select %and3A_205, %add3A_206, %rem3A_197 : i32
        %dma_start3A_208 = arith.constant 0 : i32
        %dma_start3A_209 = arith.constant 0 : i32
        %dma_start3A_210 = tpu.memref_slice %arg9[%dma_start3A_208, %dma_start3A_209] : memref<200x128xf32, #tpu.memory_space<vmem>> -> memref<128x128xf32, #tpu.memory_space<vmem>>
        %dma_start3A_211 = arith.constant 0 : i32
        %dma_start3A_212 = tpu.memref_slice %arg8[%select_n3A_207, %dma_start3A_211] : memref<8x200xi32, #tpu.memory_space<vmem>> -> memref<1x128xi32, #tpu.memory_space<vmem>>
        %dma_start3A_213 = tpu.memref_squeeze %dma_start3A_212 : memref<1x128xi32, #tpu.memory_space<vmem>> -> memref<128xi32, #tpu.memory_space<vmem>>
        %dma_start3A_214 = arith.constant 0 : i32
        %dma_start3A_215 = arith.constant 0 : i32
        %dma_start3A_216 = tpu.memref_slice %arg3[%dma_start3A_214, %dma_start3A_215] : memref<1000001x128xf32, #tpu.memory_space<hbm>> -> memref<1000001x128xf32, #tpu.memory_space<hbm>>
        tpu.enqueue_indirect_dma source(%dma_start3A_216 : memref<1000001x128xf32, #tpu.memory_space<hbm>>) target(%dma_start3A_210 : memref<128x128xf32, #tpu.memory_space<vmem>>) offsets(%dma_start3A_213 : memref<128xi32, #tpu.memory_space<vmem>>) semaphore(%arg16 : memref<!tpu.dma_semaphore, #tpu.memory_space<semaphore_mem>>)
        %dma_start3A_217 = arith.constant 128 : i32
        %dma_start3A_218 = arith.constant 0 : i32
        %dma_start3A_219 = tpu.memref_slice %arg9[%dma_start3A_217, %dma_start3A_218] : memref<200x128xf32, #tpu.memory_space<vmem>> -> memref<72x128xf32, #tpu.memory_space<vmem>>
        %dma_start3A_220 = arith.constant 128 : i32
        %dma_start3A_221 = tpu.memref_slice %arg8[%select_n3A_207, %dma_start3A_220] : memref<8x200xi32, #tpu.memory_space<vmem>> -> memref<1x72xi32, #tpu.memory_space<vmem>>
        %dma_start3A_222 = tpu.memref_squeeze %dma_start3A_221 : memref<1x72xi32, #tpu.memory_space<vmem>> -> memref<72xi32, #tpu.memory_space<vmem>>
        %dma_start3A_223 = arith.constant 0 : i32
        %dma_start3A_224 = arith.constant 0 : i32
        %dma_start3A_225 = tpu.memref_slice %arg3[%dma_start3A_223, %dma_start3A_224] : memref<1000001x128xf32, #tpu.memory_space<hbm>> -> memref<1000001x128xf32, #tpu.memory_space<hbm>>
        tpu.enqueue_indirect_dma source(%dma_start3A_225 : memref<1000001x128xf32, #tpu.memory_space<hbm>>) target(%dma_start3A_219 : memref<72x128xf32, #tpu.memory_space<vmem>>) offsets(%dma_start3A_222 : memref<72xi32, #tpu.memory_space<vmem>>) semaphore(%arg16 : memref<!tpu.dma_semaphore, #tpu.memory_space<semaphore_mem>>)
      } else {
      }
      %gt3A_175 = arith.constant 0 : i32
      %gt3A_176 = arith.cmpi sgt, %scan3A_86, %gt3A_175 : i32
      %convert_element_type3A_177 = arith.extui %gt3A_176 : i1 to i32
      %cond3A_178 = arith.constant 0 : i32
      %cond3A_179 = arith.cmpi ne, %convert_element_type3A_177, %cond3A_178 : i32
      scf.if %cond3A_179 {
        %dma_wait3A_192 = arith.constant 0 : i32
        %dma_wait3A_193 = arith.constant 0 : i32
        %dma_wait3A_194 = tpu.memref_slice %arg7[%scan3A_62, %dma_wait3A_192, %dma_wait3A_193] : memref<4096x200x64xf32, #tpu.memory_space<hbm>> -> memref<1x200x64xf32, #tpu.memory_space<hbm>>
        %dma_wait3A_195 = tpu.memref_squeeze %dma_wait3A_194 : memref<1x200x64xf32, #tpu.memory_space<hbm>> -> memref<200x64xf32, #tpu.memory_space<hbm>>
        %dma_wait3A_196 = arith.constant 0 : i32
        %dma_wait3A_197 = arith.constant 0 : i32
        %dma_wait3A_198 = tpu.memref_slice %arg7[%scan3A_62, %dma_wait3A_196, %dma_wait3A_197] : memref<4096x200x64xf32, #tpu.memory_space<hbm>> -> memref<1x200x64xf32, #tpu.memory_space<hbm>>
        %dma_wait3A_199 = tpu.memref_squeeze %dma_wait3A_198 : memref<1x200x64xf32, #tpu.memory_space<hbm>> -> memref<200x64xf32, #tpu.memory_space<hbm>>
        tpu.wait_dma2 semaphore(%arg17 : memref<!tpu.dma_semaphore, #tpu.memory_space<semaphore_mem>>) src(%dma_wait3A_199 : memref<200x64xf32, #tpu.memory_space<hbm>>) dst(%arg12 : memref<200x64xf32, #tpu.memory_space<vmem>>)
      } else {
      }
      %parallel_loop3A_180 = arith.constant 0 : i32
      %parallel_loop3A_181 = arith.constant 200 : i32
      %parallel_loop3A_182 = arith.constant 1 : i32
      scf.for %parallel_loop3A_192 = %parallel_loop3A_180 to %parallel_loop3A_181 step %parallel_loop3A_182  : i32 {
        %parallel_loop3A_193 = arith.index_cast %parallel_loop3A_192 : i32 to index
        %parallel_loop3A_194 = arith.constant 0 : index
        %parallel_loop3A_195 = tpu.vector_load %arg10[%parallel_loop3A_193, %parallel_loop3A_194] {strides = array<i32>} : memref<200x128xf32, #tpu.memory_space<vmem>>, vector<1x16xf32>,
        %parallel_loop3A_196 = vector.shape_cast %parallel_loop3A_195 : vector<1x16xf32> to vector<16xf32>
        %parallel_loop3A_197 = arith.index_cast %parallel_loop3A_192 : i32 to index
        %parallel_loop3A_198 = arith.constant 0 : index
        %parallel_loop3A_199 = tpu.vector_load %arg13[%parallel_loop3A_197, %parallel_loop3A_198] {strides = array<i32>} : memref<200x64xf32, #tpu.memory_space<vmem>>, vector<1x16xf32>,
        %parallel_loop3A_200 = vector.shape_cast %parallel_loop3A_199 : vector<1x16xf32> to vector<16xf32>
        %parallel_loop3A_201 = arith.addf %parallel_loop3A_196, %parallel_loop3A_200 : vector<16xf32>
        %parallel_loop3A_202 = arith.index_cast %parallel_loop3A_192 : i32 to index
        %parallel_loop3A_203 = arith.constant 16 : index
        %parallel_loop3A_204 = tpu.vector_load %arg10[%parallel_loop3A_202, %parallel_loop3A_203] {strides = array<i32>} : memref<200x128xf32, #tpu.memory_space<vmem>>, vector<1x16xf32>,
        %parallel_loop3A_205 = vector.shape_cast %parallel_loop3A_204 : vector<1x16xf32> to vector<16xf32>
        %parallel_loop3A_206 = arith.index_cast %parallel_loop3A_192 : i32 to index
        %parallel_loop3A_207 = arith.constant 16 : index
        %parallel_loop3A_208 = tpu.vector_load %arg13[%parallel_loop3A_206, %parallel_loop3A_207] {strides = array<i32>} : memref<200x64xf32, #tpu.memory_space<vmem>>, vector<1x16xf32>,
        %parallel_loop3A_209 = vector.shape_cast %parallel_loop3A_208 : vector<1x16xf32> to vector<16xf32>
        %parallel_loop3A_210 = arith.addf %parallel_loop3A_205, %parallel_loop3A_209 : vector<16xf32>
        %parallel_loop3A_211 = arith.index_cast %parallel_loop3A_192 : i32 to index
        %parallel_loop3A_212 = arith.constant 32 : index
        %parallel_loop3A_213 = tpu.vector_load %arg10[%parallel_loop3A_211, %parallel_loop3A_212] {strides = array<i32>} : memref<200x128xf32, #tpu.memory_space<vmem>>, vector<1x16xf32>,
        %parallel_loop3A_214 = vector.shape_cast %parallel_loop3A_213 : vector<1x16xf32> to vector<16xf32>
        %parallel_loop3A_215 = arith.index_cast %parallel_loop3A_192 : i32 to index
        %parallel_loop3A_216 = arith.constant 32 : index
        %parallel_loop3A_217 = tpu.vector_load %arg13[%parallel_loop3A_215, %parallel_loop3A_216] {strides = array<i32>} : memref<200x64xf32, #tpu.memory_space<vmem>>, vector<1x16xf32>,
        %parallel_loop3A_218 = vector.shape_cast %parallel_loop3A_217 : vector<1x16xf32> to vector<16xf32>
        %parallel_loop3A_219 = arith.addf %parallel_loop3A_214, %parallel_loop3A_218 : vector<16xf32>
        %parallel_loop3A_220 = arith.index_cast %parallel_loop3A_192 : i32 to index
        %parallel_loop3A_221 = arith.constant 48 : index
        %parallel_loop3A_222 = tpu.vector_load %arg10[%parallel_loop3A_220, %parallel_loop3A_221] {strides = array<i32>} : memref<200x128xf32, #tpu.memory_space<vmem>>, vector<1x16xf32>,
        %parallel_loop3A_223 = vector.shape_cast %parallel_loop3A_222 : vector<1x16xf32> to vector<16xf32>
        %parallel_loop3A_224 = arith.index_cast %parallel_loop3A_192 : i32 to index
        %parallel_loop3A_225 = arith.constant 48 : index
        %parallel_loop3A_226 = tpu.vector_load %arg13[%parallel_loop3A_224, %parallel_loop3A_225] {strides = array<i32>} : memref<200x64xf32, #tpu.memory_space<vmem>>, vector<1x16xf32>,
        %parallel_loop3A_227 = vector.shape_cast %parallel_loop3A_226 : vector<1x16xf32> to vector<16xf32>
        %parallel_loop3A_228 = arith.addf %parallel_loop3A_223, %parallel_loop3A_227 : vector<16xf32>
        %parallel_loop3A_229 = arith.addf %parallel_loop3A_201, %parallel_loop3A_210 : vector<16xf32>
        %parallel_loop3A_230 = arith.addf %parallel_loop3A_219, %parallel_loop3A_228 : vector<16xf32>
        %parallel_loop3A_231 = arith.addf %parallel_loop3A_229, %parallel_loop3A_230 : vector<16xf32>
        %parallel_loop3A_232 = arith.mulf %parallel_loop3A_201, %parallel_loop3A_201 : vector<16xf32>
        %parallel_loop3A_233 = arith.mulf %parallel_loop3A_210, %parallel_loop3A_210 : vector<16xf32>
        %parallel_loop3A_234 = arith.addf %parallel_loop3A_232, %parallel_loop3A_233 : vector<16xf32>
        %parallel_loop3A_235 = arith.mulf %parallel_loop3A_219, %parallel_loop3A_219 : vector<16xf32>
        %parallel_loop3A_236 = arith.mulf %parallel_loop3A_228, %parallel_loop3A_228 : vector<16xf32>
        %parallel_loop3A_237 = arith.addf %parallel_loop3A_235, %parallel_loop3A_236 : vector<16xf32>
        %parallel_loop3A_238 = arith.addf %parallel_loop3A_234, %parallel_loop3A_237 : vector<16xf32>
        %parallel_loop3A_239 = vector.shape_cast %broadcast_in_dim3A : vector<16x1xi32> to vector<16xi32>
        %parallel_loop3A_240 = tpu.dynamic_gather %parallel_loop3A_231[%parallel_loop3A_239] in [0] : vector<16xf32>, vector<16xi32> -> vector<16xf32>
        %parallel_loop3A_241 = arith.addf %parallel_loop3A_231, %parallel_loop3A_240 : vector<16xf32>
        %parallel_loop3A_242 = vector.shape_cast %broadcast_in_dim3A_32 : vector<16x1xi32> to vector<16xi32>
        %parallel_loop3A_243 = tpu.dynamic_gather %parallel_loop3A_241[%parallel_loop3A_242] in [0] : vector<16xf32>, vector<16xi32> -> vector<16xf32>
        %parallel_loop3A_244 = arith.addf %parallel_loop3A_241, %parallel_loop3A_243 : vector<16xf32>
        %parallel_loop3A_245 = vector.shape_cast %broadcast_in_dim3A_37 : vector<16x1xi32> to vector<16xi32>
        %parallel_loop3A_246 = tpu.dynamic_gather %parallel_loop3A_244[%parallel_loop3A_245] in [0] : vector<16xf32>, vector<16xi32> -> vector<16xf32>
        %parallel_loop3A_247 = arith.addf %parallel_loop3A_244, %parallel_loop3A_246 : vector<16xf32>
        %parallel_loop3A_248 = vector.shape_cast %broadcast_in_dim3A_42 : vector<16x1xi32> to vector<16xi32>
        %parallel_loop3A_249 = tpu.dynamic_gather %parallel_loop3A_247[%parallel_loop3A_248] in [0] : vector<16xf32>, vector<16xi32> -> vector<16xf32>
        %parallel_loop3A_250 = arith.addf %parallel_loop3A_247, %parallel_loop3A_249 : vector<16xf32>
        %parallel_loop3A_251 = vector.broadcast %scan3A_63 : f32 to vector<16xf32>
        %parallel_loop3A_252 = arith.mulf %parallel_loop3A_250, %parallel_loop3A_251 : vector<16xf32>
        %parallel_loop3A_253 = vector.shape_cast %broadcast_in_dim3A : vector<16x1xi32> to vector<16xi32>
        %parallel_loop3A_254 = tpu.dynamic_gather %parallel_loop3A_238[%parallel_loop3A_253] in [0] : vector<16xf32>, vector<16xi32> -> vector<16xf32>
        %parallel_loop3A_255 = arith.addf %parallel_loop3A_238, %parallel_loop3A_254 : vector<16xf32>
        %parallel_loop3A_256 = vector.shape_cast %broadcast_in_dim3A_32 : vector<16x1xi32> to vector<16xi32>
        %parallel_loop3A_257 = tpu.dynamic_gather %parallel_loop3A_255[%parallel_loop3A_256] in [0] : vector<16xf32>, vector<16xi32> -> vector<16xf32>
        %parallel_loop3A_258 = arith.addf %parallel_loop3A_255, %parallel_loop3A_257 : vector<16xf32>
        %parallel_loop3A_259 = vector.shape_cast %broadcast_in_dim3A_37 : vector<16x1xi32> to vector<16xi32>
        %parallel_loop3A_260 = tpu.dynamic_gather %parallel_loop3A_258[%parallel_loop3A_259] in [0] : vector<16xf32>, vector<16xi32> -> vector<16xf32>
        %parallel_loop3A_261 = arith.addf %parallel_loop3A_258, %parallel_loop3A_260 : vector<16xf32>
        %parallel_loop3A_262 = vector.shape_cast %broadcast_in_dim3A_42 : vector<16x1xi32> to vector<16xi32>
        %parallel_loop3A_263 = tpu.dynamic_gather %parallel_loop3A_261[%parallel_loop3A_262] in [0] : vector<16xf32>, vector<16xi32> -> vector<16xf32>
        %parallel_loop3A_264 = arith.addf %parallel_loop3A_261, %parallel_loop3A_263 : vector<16xf32>
        %parallel_loop3A_265 = vector.broadcast %scan3A_63 : f32 to vector<16xf32>
        %parallel_loop3A_266 = arith.mulf %parallel_loop3A_264, %parallel_loop3A_265 : vector<16xf32>
        %parallel_loop3A_267 = arith.mulf %parallel_loop3A_252, %parallel_loop3A_252 : vector<16xf32>
        %parallel_loop3A_268 = arith.subf %parallel_loop3A_266, %parallel_loop3A_267 : vector<16xf32>
        %parallel_loop3A_269 = arith.constant 0.000000e+00 : f32
        %parallel_loop3A_270 = vector.broadcast %parallel_loop3A_269 : f32 to vector<16xf32>
        %parallel_loop3A_271 = arith.maximumf %parallel_loop3A_268, %parallel_loop3A_270 : vector<16xf32>
        %parallel_loop3A_272 = arith.constant 9.99999996E-13 : f32
        %parallel_loop3A_273 = vector.broadcast %parallel_loop3A_272 : f32 to vector<16xf32>
        %parallel_loop3A_274 = arith.addf %parallel_loop3A_271, %parallel_loop3A_273 : vector<16xf32>
        %parallel_loop3A_275 = tpu.bitcast %parallel_loop3A_274 : vector<16xf32> -> vector<16xi32>
        %parallel_loop3A_276 = arith.constant 1 : i32
        %parallel_loop3A_277 = vector.broadcast %parallel_loop3A_276 : i32 to vector<16xi32>
        %parallel_loop3A_278 = arith.shrsi %parallel_loop3A_275, %parallel_loop3A_277 : vector<16xi32>
        %parallel_loop3A_279 = arith.constant 1597463007 : i32
        %parallel_loop3A_280 = vector.broadcast %parallel_loop3A_279 : i32 to vector<16xi32>
        %parallel_loop3A_281 = arith.subi %parallel_loop3A_280, %parallel_loop3A_278 : vector<16xi32>
        %parallel_loop3A_282 = tpu.bitcast %parallel_loop3A_281 : vector<16xi32> -> vector<16xf32>
        %parallel_loop3A_283 = arith.constant 5.000000e-01 : f32
        %parallel_loop3A_284 = vector.broadcast %parallel_loop3A_283 : f32 to vector<16xf32>
        %parallel_loop3A_285 = arith.mulf %parallel_loop3A_274, %parallel_loop3A_284 : vector<16xf32>
        %parallel_loop3A_286 = arith.mulf %parallel_loop3A_285, %parallel_loop3A_282 : vector<16xf32>
        %parallel_loop3A_287 = arith.mulf %parallel_loop3A_286, %parallel_loop3A_282 : vector<16xf32>
        %parallel_loop3A_288 = arith.constant 1.500000e+00 : f32
        %parallel_loop3A_289 = vector.broadcast %parallel_loop3A_288 : f32 to vector<16xf32>
        %parallel_loop3A_290 = arith.subf %parallel_loop3A_289, %parallel_loop3A_287 : vector<16xf32>
        %parallel_loop3A_291 = arith.mulf %parallel_loop3A_282, %parallel_loop3A_290 : vector<16xf32>
        %parallel_loop3A_292 = arith.mulf %parallel_loop3A_285, %parallel_loop3A_291 : vector<16xf32>
        %parallel_loop3A_293 = arith.mulf %parallel_loop3A_292, %parallel_loop3A_291 : vector<16xf32>
        %parallel_loop3A_294 = arith.constant 1.500000e+00 : f32
        %parallel_loop3A_295 = vector.broadcast %parallel_loop3A_294 : f32 to vector<16xf32>
        %parallel_loop3A_296 = arith.subf %parallel_loop3A_295, %parallel_loop3A_293 : vector<16xf32>
        %parallel_loop3A_297 = arith.mulf %parallel_loop3A_291, %parallel_loop3A_296 : vector<16xf32>
        %parallel_loop3A_298 = arith.subf %parallel_loop3A_201, %parallel_loop3A_252 : vector<16xf32>
        %parallel_loop3A_299 = arith.mulf %parallel_loop3A_298, %parallel_loop3A_297 : vector<16xf32>
        %parallel_loop3A_300 = arith.mulf %parallel_loop3A_299, %get3A_4 : vector<16xf32>
        %parallel_loop3A_301 = arith.addf %parallel_loop3A_300, %get3A_16 : vector<16xf32>
        %parallel_loop3A_302 = arith.index_cast %parallel_loop3A_192 : i32 to index
        %parallel_loop3A_303 = arith.constant 0 : index
        %parallel_loop3A_304 = tpu.vector_load %arg12[%parallel_loop3A_302, %parallel_loop3A_303] {strides = array<i32>} : memref<200x64xf32, #tpu.memory_space<vmem>>, vector<1x16xf32>,
        %parallel_loop3A_305 = vector.shape_cast %parallel_loop3A_304 : vector<1x16xf32> to vector<16xf32>
        %parallel_loop3A_306 = vector.shape_cast %parallel_loop3A_301 : vector<16xf32> to vector<1x16xf32>
        tpu.vector_store %arg12[%parallel_loop3A_302, %parallel_loop3A_303], %parallel_loop3A_306 {strides = array<i32>} : memref<200x64xf32, #tpu.memory_space<vmem>>, vector<1x16xf32>,
        %parallel_loop3A_307 = arith.subf %parallel_loop3A_210, %parallel_loop3A_252 : vector<16xf32>
        %parallel_loop3A_308 = arith.mulf %parallel_loop3A_307, %parallel_loop3A_297 : vector<16xf32>
        %parallel_loop3A_309 = arith.mulf %parallel_loop3A_308, %get3A_7 : vector<16xf32>
        %parallel_loop3A_310 = arith.addf %parallel_loop3A_309, %get3A_19 : vector<16xf32>
        %parallel_loop3A_311 = arith.index_cast %parallel_loop3A_192 : i32 to index
        %parallel_loop3A_312 = arith.constant 16 : index
        %parallel_loop3A_313 = tpu.vector_load %arg12[%parallel_loop3A_311, %parallel_loop3A_312] {strides = array<i32>} : memref<200x64xf32, #tpu.memory_space<vmem>>, vector<1x16xf32>,
        %parallel_loop3A_314 = vector.shape_cast %parallel_loop3A_313 : vector<1x16xf32> to vector<16xf32>
        %parallel_loop3A_315 = vector.shape_cast %parallel_loop3A_310 : vector<16xf32> to vector<1x16xf32>
        tpu.vector_store %arg12[%parallel_loop3A_311, %parallel_loop3A_312], %parallel_loop3A_315 {strides = array<i32>} : memref<200x64xf32, #tpu.memory_space<vmem>>, vector<1x16xf32>,
        %parallel_loop3A_316 = arith.subf %parallel_loop3A_219, %parallel_loop3A_252 : vector<16xf32>
        %parallel_loop3A_317 = arith.mulf %parallel_loop3A_316, %parallel_loop3A_297 : vector<16xf32>
        %parallel_loop3A_318 = arith.mulf %parallel_loop3A_317, %get3A_10 : vector<16xf32>
        %parallel_loop3A_319 = arith.addf %parallel_loop3A_318, %get3A_22 : vector<16xf32>
        %parallel_loop3A_320 = arith.index_cast %parallel_loop3A_192 : i32 to index
        %parallel_loop3A_321 = arith.constant 32 : index
        %parallel_loop3A_322 = tpu.vector_load %arg12[%parallel_loop3A_320, %parallel_loop3A_321] {strides = array<i32>} : memref<200x64xf32, #tpu.memory_space<vmem>>, vector<1x16xf32>,
        %parallel_loop3A_323 = vector.shape_cast %parallel_loop3A_322 : vector<1x16xf32> to vector<16xf32>
        %parallel_loop3A_324 = vector.shape_cast %parallel_loop3A_319 : vector<16xf32> to vector<1x16xf32>
        tpu.vector_store %arg12[%parallel_loop3A_320, %parallel_loop3A_321], %parallel_loop3A_324 {strides = array<i32>} : memref<200x64xf32, #tpu.memory_space<vmem>>, vector<1x16xf32>,
        %parallel_loop3A_325 = arith.subf %parallel_loop3A_228, %parallel_loop3A_252 : vector<16xf32>
        %parallel_loop3A_326 = arith.mulf %parallel_loop3A_325, %parallel_loop3A_297 : vector<16xf32>
        %parallel_loop3A_327 = arith.mulf %parallel_loop3A_326, %get3A_13 : vector<16xf32>
        %parallel_loop3A_328 = arith.addf %parallel_loop3A_327, %get3A_25 : vector<16xf32>
        %parallel_loop3A_329 = arith.index_cast %parallel_loop3A_192 : i32 to index
        %parallel_loop3A_330 = arith.constant 48 : index
        %parallel_loop3A_331 = tpu.vector_load %arg12[%parallel_loop3A_329, %parallel_loop3A_330] {strides = array<i32>} : memref<200x64xf32, #tpu.memory_space<vmem>>, vector<1x16xf32>,
        %parallel_loop3A_332 = vector.shape_cast %parallel_loop3A_331 : vector<1x16xf32> to vector<16xf32>
        %parallel_loop3A_333 = vector.shape_cast %parallel_loop3A_328 : vector<16xf32> to vector<1x16xf32>
        tpu.vector_store %arg12[%parallel_loop3A_329, %parallel_loop3A_330], %parallel_loop3A_333 {strides = array<i32>} : memref<200x64xf32, #tpu.memory_space<vmem>>, vector<1x16xf32>,
      } {sc.loop_unroll_factor = 4 : i64, sc.parallel_access}
      %add3A_183 = arith.addi %multiple_of3A, %add3A_137 : i32
      %dma_start3A_184 = arith.constant 0 : i32
      %dma_start3A_185 = arith.constant 0 : i32
      %dma_start3A_186 = tpu.memref_slice %arg7[%add3A_183, %dma_start3A_184, %dma_start3A_185] : memref<4096x200x64xf32, #tpu.memory_space<hbm>> -> memref<1x200x64xf32, #tpu.memory_space<hbm>>
      %dma_start3A_187 = tpu.memref_squeeze %dma_start3A_186 : memref<1x200x64xf32, #tpu.memory_space<hbm>> -> memref<200x64xf32, #tpu.memory_space<hbm>>
      %dma_start3A_188 = arith.constant 0 : i32
      %dma_start3A_189 = arith.constant 0 : i32
      %dma_start3A_190 = tpu.memref_slice %arg7[%add3A_183, %dma_start3A_188, %dma_start3A_189] : memref<4096x200x64xf32, #tpu.memory_space<hbm>> -> memref<1x200x64xf32, #tpu.memory_space<hbm>>
      %dma_start3A_191 = tpu.memref_squeeze %dma_start3A_190 : memref<1x200x64xf32, #tpu.memory_space<hbm>> -> memref<200x64xf32, #tpu.memory_space<hbm>>
      tpu.enqueue_dma source(%arg12 : memref<200x64xf32, #tpu.memory_space<vmem>>) target(%dma_start3A_191 : memref<200x64xf32, #tpu.memory_space<hbm>>) target_semaphore(%arg17 : memref<!tpu.dma_semaphore, #tpu.memory_space<semaphore_mem>>)
    }
    %scan3A_68 = arith.constant 64 : i32
    %dma_wait3A = arith.constant 0 : i32
    %dma_wait3A_69 = arith.constant 0 : i32
    %dma_wait3A_70 = arith.constant 0 : i32
    %dma_wait3A_71 = tpu.memref_slice %arg7[%dma_wait3A, %dma_wait3A_69, %dma_wait3A_70] : memref<4096x200x64xf32, #tpu.memory_space<hbm>> -> memref<1x200x64xf32, #tpu.memory_space<hbm>>
    %dma_wait3A_72 = tpu.memref_squeeze %dma_wait3A_71 : memref<1x200x64xf32, #tpu.memory_space<hbm>> -> memref<200x64xf32, #tpu.memory_space<hbm>>
    %dma_wait3A_73 = arith.constant 0 : i32
    %dma_wait3A_74 = arith.constant 0 : i32
    %dma_wait3A_75 = tpu.memref_slice %arg7[%dma_wait3A, %dma_wait3A_73, %dma_wait3A_74] : memref<4096x200x64xf32, #tpu.memory_space<hbm>> -> memref<1x200x64xf32, #tpu.memory_space<hbm>>
    %dma_wait3A_76 = tpu.memref_squeeze %dma_wait3A_75 : memref<1x200x64xf32, #tpu.memory_space<hbm>> -> memref<200x64xf32, #tpu.memory_space<hbm>>
    tpu.wait_dma2 semaphore(%arg17 : memref<!tpu.dma_semaphore, #tpu.memory_space<semaphore_mem>>) src(%dma_wait3A_76 : memref<200x64xf32, #tpu.memory_space<hbm>>) dst(%arg11 : memref<200x64xf32, #tpu.memory_space<vmem>>)
    %dma_wait3A_77 = arith.constant 0 : i32
    %dma_wait3A_78 = arith.constant 0 : i32
    %dma_wait3A_79 = arith.constant 0 : i32
    %dma_wait3A_80 = tpu.memref_slice %arg7[%dma_wait3A_77, %dma_wait3A_78, %dma_wait3A_79] : memref<4096x200x64xf32, #tpu.memory_space<hbm>> -> memref<1x200x64xf32, #tpu.memory_space<hbm>>
    %dma_wait3A_81 = tpu.memref_squeeze %dma_wait3A_80 : memref<1x200x64xf32, #tpu.memory_space<hbm>> -> memref<200x64xf32, #tpu.memory_space<hbm>>
    %dma_wait3A_82 = arith.constant 0 : i32
    %dma_wait3A_83 = arith.constant 0 : i32
    %dma_wait3A_84 = tpu.memref_slice %arg7[%dma_wait3A_77, %dma_wait3A_82, %dma_wait3A_83] : memref<4096x200x64xf32, #tpu.memory_space<hbm>> -> memref<1x200x64xf32, #tpu.memory_space<hbm>>
    %dma_wait3A_85 = tpu.memref_squeeze %dma_wait3A_84 : memref<1x200x64xf32, #tpu.memory_space<hbm>> -> memref<200x64xf32, #tpu.memory_space<hbm>>
    tpu.wait_dma2 semaphore(%arg17 : memref<!tpu.dma_semaphore, #tpu.memory_space<semaphore_mem>>) src(%dma_wait3A_85 : memref<200x64xf32, #tpu.memory_space<hbm>>) dst(%arg12 : memref<200x64xf32, #tpu.memory_space<vmem>>)
    return
  }
}

</mosaic_0001>

<sc_bundles>
// kernel: kernel.3.cloned.1.call-start
scs
__scs_entry_jumppad:
0x0: {  	(pc) =	sbr.rel $0x88, $3  }
0x1: {  	(tag) =	ssettag $0x0;
	lr =	simm.s32 $0x1  }
0x2: {  	[smem:$0x3F9C] =	sst lr;
	_ =	strace $0xD0000000  }
0x3: {  	_ = 	snop  }
0x4: {  	_ = 	snop  }
0x5: {  	_ = 	snop  }
0x6: {  	_ = 	snop  }
0x7: {  	_ = 	snop  }
__scs_overlays_trampoline_lowered:
0x8: {  	[smem:$0x3FAB] =	sst s0  }
0x9: {  	[smem:$0x3FAC] =	sst s1  }
0xa: {  	[smem:$0x3FAD] =	sst s2  }
0xb: {  	[smem:$0x3FAE] =	sst s3  }
0xc: {  	[smem:$0x3FAF] =	sst s4  }
0xd: {  	[smem:$0x3FB0] =	sst s5  }
0xe: {  	[smem:$0x3FB1] =	sst s6  }
0xf: {  	[smem:$0x3FB2] =	sst s7  }
0x10: {  	[smem:$0x3FB3] =	sst s8  }
0x11: {  	[smem:$0x3FB4] =	sst s9;
	s0 =	simm.s32 @!p0 $0x0  }
0x12: {  	s1 =	sld [smem:$0x3F9A];
	s0 =	simm.s32 @p0 $0x1  }
0x13: {  	[smem:$0x3FB5] =	sst s0;
	s0 =	simm.s32 @!p1 $0x0  }
0x14: {  	s2 =	sld [smem:$0x3F99];
	s0 =	simm.s32 @p1 $0x1  }
0x15: {  	[smem:$0x3FB6] =	sst s0;
	s0 =	simm.s32 @!p2 $0x0  }
0x16: {  	s3 =	sld [smem:$0x3FDB];
	s0 =	simm.s32 @p2 $0x1  }
0x17: {  	s4 =	simm.s32 $0x1BF5;
	[smem:$0x3FB8] =	sst s0  }
0x18: {  	s0 =	sld [smem:$0x3F9B];
	_ =	swait.ge [sflag:s4], $0x0  }
0x19: {  	s7 =	sld [smem:$0x3F9C]  }
0x1a: {  	s8 =	sadd.s32 $0xFFFFE003, lr  }
0x1b: {  	s9 =	sadd.s32 $0xFFFFFEF7, lr;
	s5 =	simm.s32 $0xFFFFFFFF;
	p2 =	slt.u32 s8, $0xFFFFF086  }
0x1c: {  	p1 =	slt.u32 s9, $0xF7A;
	s5 =	simm.s32 @!p2 $0x0  }
0x1d: {  	s5 =	simm.s32 @p1 $0x1;
	p0 =	seq.s32 s7, s2  }
0x1e: {  	s7 =	smul.u32 @!p0 $0xF7A, s2;
	p2 =	seq.s32 @!p0 s5, $0x0  }
0x1f: {  	s9 =	smul.u32 $0xF7A, s1;
	s8 =	simm.s32 @!p0 $0x1BF5;
	p2 =	por !p2, p0  }
0x20: {  	[sflag:s8] =	ssyncset.s32 @!p0 $0xFFFFF086;
	s6 =	sadd.s32 @!p0 s3, s7;
	s7 =	simm.s32 @!p0 $0x108  }
0x21: {  	s3 =	sadd.s32 s3, s9;
	s6 =	sadd.s32 @!p0 $0x88, s6;
	s7 =	simm.s32 @p2 $0x1082  }
0x22: {  	[simem:s7], [sflag:s8] =	dma.local @!p0 [hbm:s6], $0xF7A  }
0x23: {  	s9 =	sor.u32 $0xD0000000, s2;
	s6 =	simm.s32 $0x108;
	_ =	swait.ge @!p0 [sflag:s8], $0x0  }
0x24: {  	s3 =	sadd.s32 $0x88, s3;
	s6 =	simm.s32 @!p1 $0x1082;
	[sflag:s4] =	ssyncset.s32 $0xFFFFF086  }
0x25: {  	[simem:s6], [sflag:s4] =	dma.local [hbm:s3], $0xF7A  }
0x26: {  	[smem:$0x3F9C] =	sst s1;
	(tag) =	ssettag s2;
	_ =	strace s9  }
0x27: {  	s1 =	sld [smem:$0x3FAC]  }
0x28: {  	s2 =	sld [smem:$0x3FAD]  }
0x29: {  	s4 =	sld [smem:$0x3FAF]  }
0x2a: {  	p0 =	seq.s32 s5, $0x0;
	s5 =	sld [smem:$0x3FB0]  }
0x2b: {  	s6 =	sld [smem:$0x3FB1]  }
0x2c: {  	s7 =	sld [smem:$0x3FB2]  }
0x2d: {  	s3 =	simm.s32 $0x108;
	s8 =	sld [smem:$0x3FB3]  }
0x2e: {  	s3 =	simm.s32 @!p0 $0x1082;
	s9 =	sld [smem:$0x3FB4]  }
0x2f: {  	lr =	sadd.s32 s0, s3;
	s0 =	sld [smem:$0x3FAB]  }
0x30: {  	s3 =	sld [smem:$0x3FAE]  }
0x31: {  	[smem:$0x3FB7] =	sst s10  }
0x32: {  	s10 =	sld [smem:$0x3FB5];
	_ =	sdelay $0x3  }
0x33: {  	p0 =	seq.s32 s10, $0x1;
	s10 =	sld [smem:$0x3FB7];
	_ =	sdelay $0x3  }
0x34: {  	[smem:$0x3FB7] =	sst s10  }
0x35: {  	s10 =	sld [smem:$0x3FB6];
	_ =	sdelay $0x3  }
0x36: {  	p1 =	seq.s32 s10, $0x1;
	s10 =	sld [smem:$0x3FB7];
	_ =	sdelay $0x3  }
0x37: {  	[smem:$0x3FB7] =	sst s10  }
0x38: {  	s10 =	sld [smem:$0x3FB8]  }
0x39: {  	_ = 	snop;
	(pc) =	sbr.ind lr, $3  }
0x3a: {  	_ = 	snop  }
0x3b: {  	_ = 	snop  }
0x3c: {  	p2 =	seq.s32 s10, $0x1;
	s10 =	sld [smem:$0x3FB7]  }
0x3d: {  	_ =	shalt  }
0x3e: {  	_ =	shalt  }
0x3f: {  	_ =	shalt  }
0x40: {  	_ =	shalt  }
0x41: {  	_ =	shalt  }
0x42: {  	_ =	shalt  }
0x43: {  	_ =	shalt  }
0x44: {  	_ =	shalt  }
0x45: {  	_ =	shalt  }
0x46: {  	_ =	shalt  }
0x47: {  	_ =	shalt  }
0x48: {  	_ =	shalt  }
0x49: {  	_ =	shalt  }
0x4a: {  	_ =	shalt  }
0x4b: {  	_ =	shalt  }
0x4c: {  	_ =	shalt  }
0x4d: {  	_ =	shalt  }
0x4e: {  	_ =	shalt  }
0x4f: {  	_ =	shalt  }
0x50: {  	_ =	shalt  }
0x51: {  	_ =	shalt  }
0x52: {  	_ =	shalt  }
0x53: {  	_ =	shalt  }
0x54: {  	_ =	shalt  }
0x55: {  	_ =	shalt  }
0x56: {  	_ =	shalt  }
0x57: {  	_ =	shalt  }
0x58: {  	_ =	shalt  }
0x59: {  	_ =	shalt  }
0x5a: {  	_ =	shalt  }
0x5b: {  	_ =	shalt  }
0x5c: {  	_ =	shalt  }
0x5d: {  	_ =	shalt  }
0x5e: {  	_ =	shalt  }
0x5f: {  	_ =	shalt  }
0x60: {  	_ =	shalt  }
0x61: {  	_ =	shalt  }
0x62: {  	_ =	shalt  }
0x63: {  	_ =	shalt  }
0x64: {  	_ =	shalt  }
0x65: {  	_ =	shalt  }
0x66: {  	_ =	shalt  }
0x67: {  	_ =	shalt  }
0x68: {  	_ =	shalt  }
0x69: {  	_ =	shalt  }
0x6a: {  	_ =	shalt  }
0x6b: {  	_ =	shalt  }
0x6c: {  	_ =	shalt  }
0x6d: {  	_ =	shalt  }
0x6e: {  	_ =	shalt  }
0x6f: {  	_ =	shalt  }
0x70: {  	_ =	shalt  }
0x71: {  	_ =	shalt  }
0x72: {  	_ =	shalt  }
0x73: {  	_ =	shalt  }
0x74: {  	_ =	shalt  }
0x75: {  	_ =	shalt  }
0x76: {  	_ =	shalt  }
0x77: {  	_ =	shalt  }
0x78: {  	_ =	shalt  }
0x79: {  	_ =	shalt  }
0x7a: {  	_ =	shalt  }
0x7b: {  	_ =	shalt  }
0x7c: {  	_ =	shalt  }
0x7d: {  	_ =	shalt  }
0x7e: {  	_ =	shalt  }
0x7f: {  	_ =	shalt  }
0x80: {  	_ =	shalt  }
0x81: {  	_ =	shalt  }
0x82: {  	_ =	shalt  }
0x83: {  	_ =	shalt  }
0x84: {  	_ =	shalt  }
0x85: {  	_ =	shalt  }
0x86: {  	_ =	shalt  }
0x87: {  	_ =	shalt  }
.Lfunc_end0:
.L_simem_size_0:
called_computation_lowered:
.L_overlay_start_0:
0x88: {  	s2 =	sld [smem:$0x3FD9]  }
0x89: {  	s3 =	sld [smem:$0x3FFE];
	_ =	sdelay $0x1  }
0x8a: {  	s1 =	srdreg.scid  }
0x8b: {  	s0 =	sand.u32 $0x1, s1  }
0x8c: {  	s17 =	sshll.u32 s0, $0xA;
	s2 =	sadd.s32 s3, s2  }
0x8d: {  	s2 =	sadd.s32 s2, s17  }
0x8e: {  	[smem:$0x3FC3] =	sst s2  }
0x8f: {  	_ = 	snop  }
0x90: {  	s2 =	sld [smem:$0x3FC6]  }
0x91: {  	s18 =	sld [smem:$0x3FC5]  }
0x92: {  	s4 =	sld [smem:$0x3FD0];
	(tm) =	ssettm $0x1  }
0x93: {  	s5 =	sld [smem:$0x3FFB];
	_ =	sdelay $0x3  }
0x94: {  	_ =	strace s5  }
0x95: {  	s5 =	sld [smem:$0x3FFC];
	_ =	sdelay $0x3  }
0x96: {  	_ =	strace s5  }
0x97: {  	s5 =	sld [smem:$0x3FFD];
	_ =	sdelay $0x3  }
0x98: {  	_ =	strace s5  }
0x99: {  	_ =	strace $0x8FFFFFFF  }
0x9a: {  	s19 =	sld [smem:$0x3FDB];
	_ =	sdelay $0x1  }
0x9b: {  	s6 =	simm.s32 $_scs_section_size  }
0x9c: {  	s7 =	simm.s32 $_size__tile_overlayer_lowered;
	s8 =	simm.s32 $_tile_overlayer_lowered  }
0x9d: {  	s22 =	simm.s32 $0x1BFF;
	s21 =	sshll.u32 s8, $0x1;
	s5 =	sadd.s32 s6, s19  }
0x9e: {  	s9 =	simm.s32 $0x0;
	s20 =	sshll.u32 s7, $0x1;
	s7 =	sadd.s32 s21, s5  }
0x9f: {  	[timem:s9], [sflag:s22] =	dma.local [hbm:s7], s20  }
0xa0: {  	_ =	swait.ge [sflag:s22], s20  }
0xa1: {  	s6 =	ssub.s32 $0x0, s20;
	[sflag:s22] =	ssyncset.done $0x0  }
0xa2: {  	[sflag:s22] =	ssyncadd.s32 s6;
	_ =	sdelay $0x1  }
0xa3: {  	s23 =	simm.s32 $0x1B8B  }
0xa4: {  	_ =	swait.ge [sflag:s23], $0x1  }
0xa5: {  	[sflag:s23] =	ssyncset.done $0x0  }
0xa6: {  	s25 =	simm.s32 $0x1B8E;
	s24 =	sld [smem:$0x3FFE];
	[sflag:s23] =	ssyncadd.s32 $0xFFFFFFFF  }
0xa7: {  	s26 =	simm.s32 $execute0_lowered;
	[smem:$0x3FD2] =	sst s25  }
0xa8: {  	s7 =	sshll.u32 s26, $0x1;
	_ =	strace $0x80000046;
	[dreg:$0x1] =	wrdreg $0xFFFFFFFF  }
0xa9: {  	s28 =	simm.s32 $_size_execute0_lowered;
	s5 =	sadd.s32 s5, s7;
	[dreg:$0x0] =	wrdreg $0x0  }
0xaa: {  	s7 =	sshll.u32 s28, $0x1;
	[dreg:$0x2] =	wrdreg s5  }
0xab: {  	[dreg:$0x3] =	wrdreg s7  }
0xac: {  	[dreg:$0x4] =	wrdreg $0xC0  }
0xad: {  	_ =	task [dreg:s9], $0x5FFFF  }
0xae: {  	[dreg:$0x1] =	wrdreg $0xFFFFFFFF  }
0xaf: {  	[dreg:$0x0] =	wrdreg $0x60  }
0xb0: {  	[dreg:$0x2] =	wrdreg s4  }
0xb1: {  	[dreg:$0x3] =	wrdreg s24  }
0xb2: {  	[dreg:$0x4] =	wrdreg s2  }
0xb3: {  	[dreg:$0x5] =	wrdreg s18  }
0xb4: {  	[dreg:$0x6] =	wrdreg $0x9  }
0xb5: {  	_ =	task.clear_ibuf [dreg:s9], $0x7FFFF;
	_ =	strace $0x90000046  }
0xb6: {  	s29 =	simm.s32 $0x9;
	_ =	strace $0x80000048  }
0xb7: {  	_ =	swait.ge [sflag:s29], $0x1  }
0xb8: {  	[sflag:s29] =	ssyncadd.s32 $0xFFFFFFFF  }
0xb9: {  	_ =	strace $0x90000048  }
0xba: {  	_ =	sfence  }
0xbb: {  	s30 =	sld [smem:$0x0];
	_ =	sdelay $0x2  }
0xbc: {  	s31 =	sshll.u32 s1, $0xD;
	s1 =	sshrl.u32 s1, $0x2  }
0xbd: {  	s3 =	sand.u32 $0x4000, s31;
	s1 =	sadd.s32 s1, s30  }
0xbe: {  	s0 =	sor.u32 s3, s0;
	s1 =	sshll.u32 s1, $0x11  }
0xbf: {  	s0 =	sor.u32 s1, s0  }
0xc0: {  	s0 =	sadd.s32 $0x8F2B, s0  }
0xc1: {  	[sflag:s0] =	ssyncadd.remote.s32 $0x1  }
0xc2: {  	_ =	sfence.sel $0xFFFF  }
0xc3: {  	[dreg:$0x0] =	wrdreg $0xFFFFFFFF;
	(pc) =	sbr.abs _section_cstart, $3  }
0xc4: {  	[dreg:$0x1] =	wrdreg $0xFFFFFFFF  }
0xc5: {  	_ =	task.clear_ibuf [dreg:s9], $0x2FFFF;
	_ =	strace $0x9FFFFFFF  }
0xc6: {  	(tm) =	ssettm $0x7FFFFFFF  }
0xc7: {  	_ =	shalt  }
tec
execute0_lowered:
.L_overlay_start_1:
0x0: {  	(tag) =	ssettag $0x1  }
0x1: {  	s1 =	rddreg [dreg:$0x0]  }
0x2: {  	s0 =	rddreg [dreg:$0x1];
	v0 =	vimm.s32 $0xEFCDAB89;
	v1 =	vimm.s32 $0x67452301  }
0x3: {  	s4 =	simm.s32 $0x0;
	v2 =	vimm.s32 $0xDCFE98BA;
	s2 =	srdreg.scid;
	s5 =	stileid.u32;
	v3 =	vimm.s32 $0x54761032;
	v4 =	vimm.s32 $0xBA98FEDC  }
0x4: {  	v5 =	vimm.s32 $0x32107654;
	v6 =	vimm.s32 $0xFEDCBA98;
	s13 =	simm.s32 $0x3;
	s14 =	simm.s32 $0x1FC00;
	s15 =	simm.s32 $0x1FC80  }
0x5: {  	v7 =	vimm.s32 $0x76543210;
	s16 =	simm.s32 $0x80;
	s17 =	simm.s32 $0x800;
	s18 =	simm.s32 $0x48;
	v0 =	vunpack.c.l.s4.s8 v0;
	v1 =	vunpack.c.l.s4.s8 v1  }
0x6: {  	s19 =	simm.s32 $0x400;
	s20 =	simm.s32 $0x4800;
	s21 =	simm.s32 $0x1;
	v2 =	vunpack.c.l.s4.s8 v2;
	v3 =	vunpack.c.l.s4.s8 v3;
	v4 =	vunpack.c.l.s4.s8 v4  }
0x7: {  	s22 =	simm.s32 $0x6C00;
	s23 =	simm.s32 $0xAC00;
	s24 =	simm.s32 $0xD000;
	v5 =	vunpack.c.l.s4.s8 v5;
	v6 =	vunpack.c.l.s4.s8 v6;
	v7 =	vunpack.c.l.s4.s8 v7  }
0x8: {  	s25 =	simm.s32 $0x13400;
	s26 =	simm.s32 $0x2;
	s28 =	simm.s32 $0x0;
	v0 =	vunpack.c.0.s8.s32 v0;
	v1 =	vunpack.c.0.s8.s32 v1;
	v2 =	vunpack.c.0.s8.s32 v2  }
0x9: {  	[smem:$0x7FF] =	sst s4;
	s6 =	sadd.s32 $0xF43C00, s0;
	s2 =	sand.u32 $0x1, s2;
	v3 =	vunpack.c.0.s8.s32 v3;
	v4 =	vunpack.c.0.s8.s32 v4;
	v5 =	vunpack.c.0.s8.s32 v5  }
0xa: {  	s5 =	sshll.u32 s5, $0x8;
	s3 =	ssub.s32 $0x2, s2;
	s2 =	sshll.u32 s2, $0x7;
	v0 =	vcombine.low v1, v0;
	v1 =	vunpack.c.0.s8.s32 v6  }
0xb: {  	s7 =	sadd.s32 $0xF42E00, s0;
	s10 =	sshrl.u32 s3, $0x1;
	s8 =	sor.u32 s2, s5;
	v2 =	vcombine.low v3, v2;
	v3 =	vcombine.low v5, v4;
	v4 =	vunpack.c.0.s8.s32 v7  }
0xc: {  	s9 =	sadd.s32 $0x800, s0;
	s31 =	ssub.s32 s3, s10;
	s2 =	sshll.u32 s8, $0x5;
	v0 =	vand.u32 $0xF, v0;
	v5 =	vand.u32 $0xF, v1  }
0xd: {  	_ =	strace $0x80000047;
	s10 =	sadd.s32 s1, s2;
	s11 =	smax.u32 s31, $0x1;
	v1 =	vand.u32 $0xF, v2;
	v2 =	vand.u32 $0xF, v3;
	v3 =	vcombine.low v5, v4  }
.LBB2_1:
0xe: {  	s0 =	simm.s32 $0x19800  }
0xf: {  	[tilespmem:s0], [sflag:$0x3] =	stream.linear.gather [hbm4b:s7+s4], $0x6400, $0x38;
	[tilespmem:$0x1FD00] =	vst v63  }
0x10: {  	_ =	swait.ge [sflag:s13], $0x6400  }
0x11: {  	[sflag:s13] =	ssyncset.done $0x0  }
0x12: {  	[sflag:s13] =	ssyncadd.s32 $0xFFFF9C00  }
0x13: {  	s30 =	rddreg [dreg:$0x2]  }
0x14: {  	[tilespmem:s14], [sflag:$0x3] =	stream.linear.gather [hbm4b:s30+s4], $0x80, $0x38;
	[tilespmem:$0x1FD00] =	vst v63  }
0x15: {  	_ =	swait.ge [sflag:s13], $0x80  }
0x16: {  	[sflag:s13] =	ssyncset.done $0x0  }
0x17: {  	[sflag:s13] =	ssyncadd.s32 $0xFFFFFF80  }
0x18: {  	s31 =	rddreg [dreg:$0x3]  }
0x19: {  	[tilespmem:s15], [sflag:$0x3] =	stream.linear.gather [hbm4b:s31+s4], $0x80, $0x38;
	[tilespmem:$0x1FD00] =	vst v63  }
0x1a: {  	_ =	swait.ge [sflag:s13], $0x80  }
0x1b: {  	[sflag:s13] =	ssyncset.done $0x0  }
0x1c: {  	[sflag:s13] =	ssyncadd.s32 $0xFFFFFF80  }
0x1d: {  	[tilespmem:s4], [sflag:$0x3] =	stream.linear.gather [hbm4b:s10+s4], $0x800, $0x38;
	[tilespmem:$0x1FD00] =	vst v63  }
0x1e: {  	_ =	swait.ge [sflag:s13], $0x800  }
0x1f: {  	[sflag:s13] =	ssyncset.done $0x0  }
0x20: {  	[sflag:s13] =	ssyncadd.s32 $0xFFFFF800  }
0x21: {  	v4 =	vld [tilespmem:$0x1FC00]  }
0x22: {  	v5 =	vld [tilespmem:$0x1FC10]  }
0x23: {  	v6 =	vld [tilespmem:$0x1FC20]  }
0x24: {  	v7 =	vld [tilespmem:$0x1FC30]  }
0x25: {  	v8 =	vld [tilespmem:$0x1FC80]  }
0x26: {  	v10 =	vld [tilespmem:$0x1FCA0]  }
0x27: {  	v9 =	vld [tilespmem:$0x1FC90]  }
0x28: {  	v11 =	vld [tilespmem:$0x1FCB0];
	[tilespmem:s17], [sflag:$0x1] =	stream.indirect.gather [hbm4b:s6+s16], $0x80, s4, s16, $0xb8  }
0x29: {  	s29 =	simm.s32 $0x0  }
0x2a: {  	[tilespmem:s20], [sflag:$0x1] =	stream.indirect.gather [hbm4b:s6+s18], $0x80, s19, s18, $0xb8;
	[tilespmem:$0x1FD00] =	vst v63  }
.LBB2_2:
0x2b: {  	s30 =	sshllo.u32 s29, $0x1;
	_ =	swait.ge [sflag:s21], $0x6400  }
0x2c: {  	[sflag:s21] =	ssyncset.done $0x0;
	s0 =	sshll.u32 s30, $0x7  }
0x2d: {  	[sflag:s21] =	ssyncadd.s32 $0xFFFF9C00;
	s0 =	sand.u32 $0x380, s0  }
0x2e: {  	[tilespmem:s22], [sflag:$0x1] =	stream.indirect.gather [hbm4b:s6+s16], $0x80, s0, s16, $0xb8;
	[tilespmem:$0x1FD00] =	vst v63  }
0x2f: {  	p0 =	seq.s32 s29, $0x0;
	s0 =	sor.u32 $0x400, s0  }
0x30: {  	[tilespmem:s23], [sflag:$0x1] =	stream.indirect.gather [hbm4b:s6+s18], $0x80, s0, s18, $0xb8;
	[tilespmem:$0x1FD00] =	vst v63  }
0x31: {  	s0 =	simm.s32 @!p0 $0x2  }
0x32: {  	_ =	swait.ge @!p0 [sflag:s0], $0x6400  }
0x33: {  	[sflag:s0] =	ssyncset.done @!p0 $0x0  }
0x34: {  	s5 =	simm.s32 $0x900;
	[sflag:s0] =	ssyncadd.s32 @!p0 $0xFFFF9C00  }
0x35: {  	s2 =	simm.s32 $0x19900;
	v12 =	vld [tilespmem:s5+$0x80]  }
0x36: {  	v13 =	vld [tilespmem:s2+$0x80]  }
0x37: {  	v15 =	vld [tilespmem:s5+$0x90]  }
0x38: {  	v16 =	vld [tilespmem:s2+$0x90]  }
0x39: {  	v17 =	vld [tilespmem:s5+$0xA0]  }
0x3a: {  	v18 =	vld [tilespmem:s2+$0xA0]  }
0x3b: {  	v19 =	vld [tilespmem:s5+$0xB0]  }
0x3c: {  	v20 =	vld [tilespmem:s2+$0xB0]  }
0x3d: {  	v28 =	vld [tilespmem:s2+$0xFFFFFF00]  }
0x3e: {  	v21 =	vld [tilespmem:s5+$0xFFFFFF10]  }
0x3f: {  	v23 =	vld [tilespmem:s5+$0xFFFFFF20]  }
0x40: {  	v26 =	vld [tilespmem:s5+$0xFFFFFF80]  }
0x41: {  	v30 =	vld [tilespmem:s2+$0xFFFFFF80];
	v14 =	vadd.f32 v13, v12;
	v13 =	vadd.f32 v16, v15  }
0x42: {  	v41 =	vld [tilespmem:s5+$0xFFFFFF00];
	v12 =	vadd.f32 v18, v17;
	v16 =	vadd.f32 v20, v19  }
0x43: {  	v17 =	vld [tilespmem:s5+$0xFFFFFF30];
	v18 =	vadd.f32 v13, v14  }
0x44: {  	v19 =	vld [tilespmem:s2+$0xFFFFFF30];
	v20 =	vadd.f32 v16, v12;
	v24 =	vmul.f32 v14, v14;
	v25 =	vmul.f32 v13, v13  }
0x45: {  	v15 =	vld [tilespmem:s2+$0xFFFFFF20];
	v27 =	vmul.f32 v12, v12;
	v29 =	vmul.f32 v16, v16  }
0x46: {  	v22 =	vld [tilespmem:s2+$0xFFFFFF10];
	v20 =	vadd.f32 v20, v18  }
0x47: {  	v31 =	vld [tilespmem:s5+$0xFFFFFF90];
	v18 =	vadd.f32 v25, v24;
	v24 =	vadd.f32 v29, v27  }
0x48: {  	v32 =	vld [tilespmem:s5+$0xFFFFFFB0];
	v28 =	vadd.f32 v28, v41  }
0x49: {  	v27 =	vld [tilespmem:s2+$0xFFFFFF90];
	v17 =	vadd.f32 v19, v17;
	v24 =	vadd.f32 v24, v18;
	v25 =	vperm.xlane v20, v0  }
0x4a: {  	v41 =	vmul.f32 v28, v28;
	v29 =	vld [tilespmem:s5+$0xFFFFFFA0];
	v19 =	vadd.f32 v30, v26;
	v18 =	vadd.f32 v15, v23  }
0x4b: {  	v15 =	vld [tilespmem:s2+$0xFFFFFFA0];
	v26 =	vmul.f32 v17, v17;
	v20 =	vadd.f32 v20, v25;
	v23 =	vperm.xlane v24, v0  }
0x4c: {  	v30 =	vld [tilespmem:s5+$0x0];
	v51 =	vmul.f32 v19, v19;
	v25 =	vadd.f32 v22, v21;
	v21 =	vmul.f32 v18, v18  }
0x4d: {  	v22 =	vld [tilespmem:s2+$0xFFFFFFB0];
	v35 =	vadd.f32 v17, v18;
	v33 =	vperm.xlane v20, v1;
	v34 =	vadd.f32 v23, v24  }
0x4e: {  	v23 =	vadd.f32 v27, v31;
	v27 =	vld [tilespmem:s2+$0x0];
	v31 =	vadd.f32 v26, v21;
	v58 =	vmul.f32 v25, v25  }
0x4f: {  	v21 =	vld [tilespmem:s5+$0x10];
	v61 =	vadd.f32 v25, v28;
	v20 =	vadd.f32 v20, v33;
	v26 =	vperm.xlane v34, v1  }
0x50: {  	v24 =	vadd.f32 v15, v29;
	v29 =	vld [tilespmem:s2+$0x10];
	v15 =	vmul.f32 v23, v23;
	v36 =	vadd.f32 v23, v19  }
0x51: {  	v35 =	vadd.f32 v35, v61;
	v38 =	vperm.xlane v20, v2;
	v34 =	vadd.f32 v26, v34  }
0x52: {  	v52 =	vmul.f32 v24, v24;
	v26 =	vadd.f32 v22, v32;
	v15 =	vadd.f32 v15, v51  }
0x53: {  	v37 =	vld [tilespmem:s5+$0x20];
	v32 =	vadd.f32 v58, v41;
	v44 =	vperm.xlane v35, v0;
	v38 =	vadd.f32 v20, v38  }
0x54: {  	v22 =	vld [tilespmem:s2+$0x20];
	v39 =	vperm.xlane v34, v2;
	v20 =	vadd.f32 v27, v30;
	v27 =	vadd.f32 v26, v24  }
0x55: {  	v53 =	vld [tilespmem:s5+$0x30];
	v30 =	vmul.f32 v26, v26;
	v21 =	vadd.f32 v29, v21;
	v31 =	vadd.f32 v31, v32  }
0x56: {  	v40 =	vld [tilespmem:s2+$0x30];
	v32 =	vadd.f32 v35, v44;
	v34 =	vadd.f32 v39, v34  }
0x57: {  	v29 =	vperm.xlane v38, v3;
	v36 =	vadd.f32 v27, v36;
	v27 =	vadd.f32 v30, v52  }
0x58: {  	v30 =	vmul.f32 v20, v20;
	v56 =	vadd.f32 v21, v20;
	v57 =	vmul.f32 v21, v21  }
0x59: {  	v47 =	vperm.xlane v31, v0;
	v50 =	vperm.xlane v32, v1;
	v22 =	vadd.f32 v22, v37  }
0x5a: {  	v29 =	vadd.f32 v38, v29;
	v54 =	vperm.xlane v34, v3;
	v55 =	vadd.f32 v27, v15  }
0x5b: {  	v15 =	vadd.f32 v40, v53;
	v30 =	vadd.f32 v57, v30;
	v62 =	vperm.xlane v36, v0  }
0x5c: {  	v31 =	vadd.f32 v47, v31;
	v32 =	vadd.f32 v32, v50;
	v60 =	vmul.f32 v22, v22  }
0x5d: {  	v27 =	vmul.f32 $1.562500000e-02, v29;
	v29 =	vadd.f32 v54, v34;
	v42 =	vmul.f32 v15, v15  }
0x5e: {  	v33 =	vadd.f32 v15, v22;
	v63 =	vperm.xlane v55, v0;
	v54 =	vperm.xlane v31, v1  }
0x5f: {  	v34 =	vadd.f32 v36, v62;
	v40 =	vperm.xlane v32, v2;
	v29 =	vmul.f32 $1.562500000e-02, v29  }
0x60: {  	v59 =	vmul.f32 v27, v27;
	v33 =	vadd.f32 v33, v56;
	v39 =	vadd.f32 v42, v60  }
0x61: {  	v37 =	vadd.f32 v63, v55;
	v51 =	vperm.xlane v34, v1;
	v31 =	vadd.f32 v54, v31  }
0x62: {  	v32 =	vadd.f32 v32, v40;
	v29 =	vsub.f32 v29, v59;
	v45 =	vperm.xlane v33, v0  }
0x63: {  	v30 =	vadd.f32 v39, v30;
	v34 =	vadd.f32 v34, v51;
	v55 =	vperm.xlane v37, v1  }
0x64: {  	v58 =	vperm.xlane v31, v2;
	v62 =	vperm.xlane v32, v3;
	v29 =	vmax.f32 v29, $0.0e+00  }
0x65: {  	v33 =	vadd.f32 v33, v45;
	v48 =	vperm.xlane v30, v0;
	v36 =	vadd.f32 v55, v37  }
0x66: {  	v57 =	vperm.xlane v34, v2;
	v31 =	vadd.f32 v58, v31;
	v32 =	vadd.f32 v32, v62  }
0x67: {  	v29 =	vadd.f32 $9.999999960e-13, v29;
	v52 =	vperm.xlane v33, v1;
	v30 =	vadd.f32 v48, v30  }
0x68: {  	v34 =	vadd.f32 v34, v57;
	v60 =	vperm.xlane v36, v2;
	v44 =	vperm.xlane v31, v3  }
0x69: {  	v32 =	vmul.f32 $1.562500000e-02, v32;
	v46 =	vshra.s32 v29, $0x1;
	v29 =	vmul.f32 $5.000000000e-01, v29  }
0x6a: {  	v35 =	vsub.s32 $0x5F3759DF, v46;
	v33 =	vadd.f32 v33, v52;
	v56 =	vperm.xlane v30, v1  }
0x6b: {  	v16 =	vsub.f32 v16, v27;
	v63 =	vperm.xlane v34, v3;
	v49 =	vmul.f32 v35, v29  }
0x6c: {  	v36 =	vadd.f32 v60, v36;
	v30 =	vadd.f32 v56, v30;
	v59 =	vperm.xlane v33, v2  }
0x6d: {  	v31 =	vadd.f32 v44, v31;
	v48 =	vmul.f32 v32, v32;
	v53 =	vmul.f32 v35, v49  }
0x6e: {  	v46 =	vperm.xlane v36, v3;
	v61 =	vperm.xlane v30, v2;
	v33 =	vadd.f32 v33, v59  }
0x6f: {  	v34 =	vadd.f32 v34, v63;
	v31 =	vmul.f32 $1.562500000e-02, v31;
	v38 =	vsub.f32 $1.500000000e+00, v53  }
0x70: {  	v36 =	vadd.f32 v46, v36;
	v45 =	vperm.xlane v33, v3;
	v30 =	vadd.f32 v61, v30  }
0x71: {  	v34 =	vmul.f32 $1.562500000e-02, v34;
	v31 =	vsub.f32 v31, v48;
	v35 =	vmul.f32 v35, v38  }
0x72: {  	v36 =	vmul.f32 $1.562500000e-02, v36;
	v33 =	vadd.f32 v33, v45;
	v47 =	vperm.xlane v30, v3  }
0x73: {  	v14 =	vsub.f32 v14, v27;
	v49 =	vmul.f32 v34, v34;
	v29 =	vmul.f32 v35, v29  }
0x74: {  	v31 =	vmax.f32 v31, $0.0e+00;
	v33 =	vmul.f32 $1.562500000e-02, v33;
	v30 =	vadd.f32 v47, v30  }
0x75: {  	v31 =	vadd.f32 $9.999999960e-13, v31;
	v36 =	vsub.f32 v36, v49;
	v29 =	vmul.f32 v29, v35  }
0x76: {  	v13 =	vsub.f32 v13, v27;
	v30 =	vmul.f32 $1.562500000e-02, v30;
	v50 =	vmul.f32 v33, v33  }
0x77: {  	v52 =	vshra.s32 v31, $0x1;
	v31 =	vmul.f32 $5.000000000e-01, v31;
	v51 =	vmax.f32 v36, $0.0e+00  }
0x78: {  	v36 =	vsub.s32 $0x5F3759DF, v52;
	v29 =	vsub.f32 $1.500000000e+00, v29;
	v30 =	vsub.f32 v30, v50  }
0x79: {  	v12 =	vsub.f32 v12, v27;
	v28 =	vsub.f32 v28, v32;
	v55 =	vmul.f32 v36, v31  }
0x7a: {  	v29 =	vmul.f32 v29, v35;
	v35 =	vadd.f32 $9.999999960e-13, v51;
	v30 =	vmax.f32 v30, $0.0e+00  }
0x7b: {  	v25 =	vsub.f32 v25, v32;
	v30 =	vadd.f32 $9.999999960e-13, v30  }
0x7c: {  	v58 =	vsub.f32 v18, v32;
	v39 =	vmul.f32 v36, v55;
	v53 =	vshra.s32 v35, $0x1  }
0x7d: {  	v35 =	vmul.f32 $5.000000000e-01, v35;
	v54 =	vshra.s32 v30, $0x1;
	v30 =	vmul.f32 $5.000000000e-01, v30  }
0x7e: {  	s12 =	simm.s32 $0xB00;
	v39 =	vsub.f32 $1.500000000e+00, v39;
	v37 =	vsub.s32 $0x5F3759DF, v53;
	v38 =	vsub.s32 $0x5F3759DF, v54  }
0x7f: {  	s31 =	simm.s32 $0x19B00;
	v17 =	vsub.f32 v17, v32;
	v61 =	vld [tilespmem:s12+$0x80];
	v56 =	vmul.f32 v37, v35;
	v57 =	vmul.f32 v38, v30  }
0x80: {  	v62 =	vsub.f32 v19, v34;
	v19 =	vld [tilespmem:s31+$0x80];
	v16 =	vmul.f32 v29, v16;
	v59 =	vmul.f32 v36, v39  }
0x81: {  	v23 =	vsub.f32 v23, v34;
	v40 =	vmul.f32 v37, v56;
	v41 =	vmul.f32 v38, v57  }
0x82: {  	v48 =	vld [tilespmem:s12+$0x90];
	v63 =	vsub.f32 v24, v34;
	v14 =	vmul.f32 v29, v14;
	v24 =	vmul.f32 v59, v31  }
0x83: {  	v46 =	vld [tilespmem:s31+$0xFFFFFF10];
	v13 =	vmul.f32 v29, v13;
	v40 =	vsub.f32 $1.500000000e+00, v40;
	v18 =	vsub.f32 $1.500000000e+00, v41  }
0x84: {  	v26 =	vsub.f32 v26, v34;
	v51 =	vld [tilespmem:s12+$0xB0];
	v12 =	vmul.f32 v29, v12;
	v24 =	vmul.f32 v24, v59  }
0x85: {  	v19 =	vadd.f32 v19, v61;
	v29 =	vld [tilespmem:s31+$0xB0];
	v60 =	vmul.f32 v37, v40;
	v18 =	vmul.f32 v38, v18  }
0x86: {  	v49 =	vld [tilespmem:s31+$0x90];
	v16 =	vmul.f32 v16, v7;
	v14 =	vmul.f32 v14, v4;
	v24 =	vsub.f32 $1.500000000e+00, v24  }
0x87: {  	v52 =	vld [tilespmem:s12+$0xFFFFFF10];
	v43 =	vsub.f32 v20, v33;
	v31 =	vmul.f32 v60, v35;
	v30 =	vmul.f32 v18, v30  }
0x88: {  	v21 =	vsub.f32 v21, v33;
	v50 =	vld [tilespmem:s12+$0xA0];
	v44 =	vmul.f32 v13, v5;
	v13 =	vmul.f32 v24, v59  }
0x89: {  	v22 =	vsub.f32 v22, v33;
	v31 =	vmul.f32 v31, v60;
	v27 =	vmul.f32 v30, v18;
	v30 =	vld [tilespmem:s31+$0xA0]  }
0x8a: {  	v12 =	vmul.f32 v12, v6;
	v54 =	vld [tilespmem:s12+$0xFFFFFFA0];
	v24 =	vadd.f32 v29, v51;
	v53 =	vmul.f32 v13, v28  }
0x8b: {  	v56 =	vld [tilespmem:s31+$0xFFFFFFA0];
	v47 =	vmul.f32 v13, v25;
	v34 =	vmul.f32 v13, v58;
	v31 =	vsub.f32 $1.500000000e+00, v31  }
0x8c: {  	v57 =	vld [tilespmem:s31+$0xFFFFFF30];
	v29 =	vmul.f32 v13, v17;
	v58 =	vmul.f32 v19, v19;
	v27 =	vsub.f32 $1.500000000e+00, v27  }
0x8d: {  	v33 =	vsub.f32 v15, v33;
	v25 =	vld [tilespmem:s12+$0xFFFFFF20];
	v61 =	vmul.f32 v24, v24;
	v31 =	vmul.f32 v31, v60  }
0x8e: {  	v28 =	vld [tilespmem:s31+$0xFFFFFF20];
	v27 =	vmul.f32 v27, v18;
	v18 =	vadd.f32 v49, v48;
	v20 =	vadd.f32 v30, v50  }
0x8f: {  	v16 =	vadd.f32 v16, v11;
	v35 =	vld [tilespmem:s12+$0xFFFFFFB0];
	v47 =	vmul.f32 v47, v5;
	v37 =	vmul.f32 v31, v62  }
0x90: {  	v38 =	vld [tilespmem:s31+$0x0];
	v13 =	vadd.f32 v18, v19;
	v59 =	vmul.f32 v18, v18;
	v17 =	vadd.f32 v24, v20  }
0x91: {  	v47 =	vadd.f32 v47, v9;
	v60 =	vld [tilespmem:s12+$0xFFFFFF80];
	v48 =	vmul.f32 v31, v23;
	v15 =	vmul.f32 v20, v20  }
0x92: {  	v49 =	vmul.f32 v31, v63;
	v30 =	vld [tilespmem:s12+$0xFFFFFF30];
	v23 =	vadd.f32 v59, v58;
	v50 =	vadd.f32 v17, v13  }
0x93: {  	v63 =	vld [tilespmem:s31+$0xFFFFFF90];
	v13 =	vmul.f32 v31, v26;
	v31 =	vadd.f32 v61, v15;
	v17 =	vadd.f32 v14, v8  }
0x94: {  	v58 =	vld [tilespmem:s31+$0xFFFFFFB0];
	v14 =	vmul.f32 v27, v43;
	v15 =	vmul.f32 v27, v21;
	v21 =	vadd.f32 v44, v9  }
0x95: {  	v26 =	vld [tilespmem:s12+$0xFFFFFF90];
	v44 =	vmul.f32 v53, v4;
	v31 =	vadd.f32 v31, v23;
	v55 =	vperm.xlane v50, v0  }
0x96: {  	v62 =	vld [tilespmem:s31+$0xFFFFFF80];
	v23 =	vmul.f32 v27, v22;
	v22 =	vmul.f32 v27, v33;
	v27 =	vadd.f32 v28, v25  }
0x97: {  	v40 =	vmul.f32 v37, v4;
	v28 =	vadd.f32 v57, v30;
	v25 =	vadd.f32 v46, v52;
	v46 =	vld [tilespmem:s12+$0x0]  }
0x98: {  	v44 =	vadd.f32 v44, v8;
	v42 =	vadd.f32 v50, v55;
	v30 =	vperm.xlane v31, v0  }
0x99: {  	v57 =	vmul.f32 v27, v27;
	v59 =	vmul.f32 v28, v28;
	v32 =	vadd.f32 v58, v35  }
0x9a: {  	v45 =	vld [tilespmem:s31+$0xFFFFFF00];
	v35 =	vmul.f32 v29, v7;
	v26 =	vadd.f32 v63, v26;
	v51 =	vadd.f32 v30, v31  }
0x9b: {  	v41 =	vld [tilespmem:s12+$0x10];
	v50 =	vperm.xlane v42, v1;
	v30 =	vadd.f32 v62, v60;
	v39 =	vadd.f32 v59, v57  }
0x9c: {  	v63 =	vld [tilespmem:s31+$0x10];
	v31 =	vadd.f32 v56, v54;
	v62 =	vmul.f32 v26, v26;
	v33 =	vadd.f32 v38, v46  }
0x9d: {  	v36 =	vld [tilespmem:s31+$0x20];
	v42 =	vadd.f32 v42, v50;
	v60 =	vperm.xlane v51, v1;
	v61 =	vmul.f32 v30, v30  }
0x9e: {  	v54 =	vmul.f32 v34, v6;
	v56 =	vld [tilespmem:s12+$0x30];
	v50 =	vadd.f32 v26, v30;
	v59 =	vadd.f32 v32, v31  }
0x9f: {  	v55 =	vmul.f32 v31, v31;
	v51 =	vadd.f32 v60, v51;
	v43 =	vadd.f32 v62, v61;
	v61 =	vld [tilespmem:s12+$0xFFFFFF00]  }
0xa0: {  	v54 =	vadd.f32 v54, v10;
	v53 =	vperm.xlane v42, v2;
	v60 =	vmul.f32 v32, v32;
	v62 =	vld [tilespmem:s31+$0x30]  }
0xa1: {  	v52 =	vld [tilespmem:s12+$0x20];
	v34 =	vadd.f32 v63, v41;
	v29 =	vadd.f32 v59, v50;
	v58 =	vperm.xlane v51, v2  }
0xa2: {  	v13 =	vmul.f32 v13, v7;
	v42 =	vadd.f32 v42, v53;
	v46 =	vadd.f32 v60, v55  }
0xa3: {  	v14 =	vmul.f32 v14, v4;
	v55 =	vadd.f32 v28, v27;
	v63 =	vadd.f32 v58, v51  }
0xa4: {  	v57 =	vperm.xlane v42, v3;
	v46 =	vadd.f32 v46, v43;
	v43 =	vadd.f32 v12, v10  }
0xa5: {  	v45 =	vadd.f32 v45, v61;
	v41 =	vadd.f32 v62, v56;
	v59 =	vperm.xlane v63, v3  }
0xa6: {  	v38 =	vmul.f32 v25, v25;
	v58 =	vadd.f32 v42, v57;
	v42 =	vadd.f32 v36, v52  }
0xa7: {  	v60 =	vmul.f32 v33, v33;
	v62 =	vadd.f32 v25, v45;
	v57 =	vadd.f32 v59, v63  }
0xa8: {  	v36 =	vmul.f32 $1.562500000e-02, v58;
	v58 =	vmul.f32 v34, v34;
	v63 =	vadd.f32 v34, v33  }
0xa9: {  	v51 =	vadd.f32 v55, v62;
	v62 =	vadd.f32 v41, v42;
	v59 =	vmul.f32 $1.562500000e-02, v57  }
0xaa: {  	s2 =	simm.s32 $0xD100;
	v61 =	vmul.f32 v36, v36;
	v52 =	vadd.f32 v58, v60;
	v60 =	vmul.f32 v45, v45  }
0xab: {  	[tilespmem:s2+$0xA0] =	vst v43;
	v58 =	vmul.f32 v41, v41;
	v24 =	vsub.f32 v24, v36;
	v43 =	vsub.f32 v18, v36  }
0xac: {  	v12 =	vadd.f32 v62, v63;
	v63 =	vperm.xlane v29, v0;
	v50 =	vsub.f32 v59, v61  }
0xad: {  	v61 =	vmul.f32 v42, v42;
	v57 =	vadd.f32 v38, v60;
	v38 =	vmul.f32 v48, v5  }
0xae: {  	v59 =	vperm.xlane v51, v0;
	v60 =	vperm.xlane v46, v0;
	v29 =	vadd.f32 v29, v63  }
0xaf: {  	v58 =	vadd.f32 v58, v61;
	v50 =	vmax.f32 v50, $0.0e+00;
	v39 =	vadd.f32 v39, v57  }
0xb0: {  	v61 =	vperm.xlane v12, v0;
	v51 =	vadd.f32 v51, v59;
	v46 =	vadd.f32 v60, v46  }
0xb1: {  	v50 =	vadd.f32 $9.999999960e-13, v50;
	v60 =	vperm.xlane v29, v1;
	v48 =	vadd.f32 v58, v52  }
0xb2: {  	v63 =	vperm.xlane v39, v0;
	v12 =	vadd.f32 v12, v61;
	v58 =	vperm.xlane v51, v1  }
0xb3: {  	v62 =	vshra.s32 v50, $0x1;
	v50 =	vmul.f32 $5.000000000e-01, v50;
	v29 =	vadd.f32 v29, v60  }
0xb4: {  	v37 =	vsub.s32 $0x5F3759DF, v62;
	v57 =	vperm.xlane v48, v0;
	v39 =	vadd.f32 v63, v39  }
0xb5: {  	v51 =	vadd.f32 v51, v58;
	v61 =	vperm.xlane v12, v1;
	v63 =	vperm.xlane v46, v1  }
0xb6: {  	v59 =	vmul.f32 v37, v50;
	v60 =	vperm.xlane v29, v2;
	v48 =	vadd.f32 v57, v48  }
0xb7: {  	v62 =	vperm.xlane v39, v1;
	v55 =	vadd.f32 v12, v61;
	v12 =	vmul.f32 v49, v6  }
0xb8: {  	v58 =	vperm.xlane v51, v2;
	v46 =	vadd.f32 v63, v46;
	v53 =	vmul.f32 v37, v59  }
0xb9: {  	v29 =	vadd.f32 v29, v60;
	v39 =	vadd.f32 v62, v39;
	v59 =	vperm.xlane v48, v1  }
0xba: {  	v51 =	vadd.f32 v51, v58;
	v61 =	vperm.xlane v55, v2;
	v57 =	vsub.f32 $1.500000000e+00, v53  }
0xbb: {  	v60 =	vperm.xlane v29, v3;
	v48 =	vadd.f32 v59, v48;
	v62 =	vperm.xlane v39, v2  }
0xbc: {  	v52 =	vadd.f32 v55, v61;
	v59 =	vperm.xlane v51, v3;
	v37 =	vmul.f32 v37, v57  }
0xbd: {  	v18 =	vsub.f32 v20, v36;
	v57 =	vperm.xlane v46, v2;
	v58 =	vperm.xlane v48, v2  }
0xbe: {  	v39 =	vadd.f32 v62, v39;
	v61 =	vperm.xlane v52, v3;
	v51 =	vadd.f32 v51, v59  }
0xbf: {  	v63 =	vmul.f32 v37, v50;
	v46 =	vadd.f32 v57, v46;
	v50 =	vadd.f32 v29, v60  }
0xc0: {  	v48 =	vadd.f32 v58, v48;
	v62 =	vperm.xlane v39, v3;
	v57 =	vmul.f32 $1.562500000e-02, v51  }
0xc1: {  	v52 =	vadd.f32 v52, v61;
	v49 =	vmul.f32 v63, v37;
	v63 =	vperm.xlane v46, v3  }
0xc2: {  	v50 =	vmul.f32 $1.562500000e-02, v50;
	v39 =	vadd.f32 v62, v39;
	v58 =	vperm.xlane v48, v3  }
0xc3: {  	v52 =	vmul.f32 $1.562500000e-02, v52;
	v60 =	vmul.f32 v57, v57;
	v49 =	vsub.f32 $1.500000000e+00, v49  }
0xc4: {  	v25 =	vsub.f32 v25, v57;
	v46 =	vadd.f32 v63, v46;
	v62 =	vmul.f32 v50, v50  }
0xc5: {  	v39 =	vmul.f32 $1.562500000e-02, v39;
	v48 =	vadd.f32 v58, v48;
	v29 =	vmul.f32 v49, v37  }
0xc6: {  	v27 =	vsub.f32 v27, v57;
	v63 =	vmul.f32 v52, v52;
	v46 =	vmul.f32 $1.562500000e-02, v46  }
0xc7: {  	v48 =	vmul.f32 $1.562500000e-02, v48;
	v39 =	vsub.f32 v39, v60;
	v59 =	vmul.f32 v29, v24  }
0xc8: {  	v15 =	vmul.f32 v15, v5;
	v28 =	vsub.f32 v28, v57;
	v46 =	vsub.f32 v46, v62  }
0xc9: {  	v48 =	vsub.f32 v48, v63;
	v39 =	vmax.f32 v39, $0.0e+00;
	v61 =	vmul.f32 v59, v7  }
0xca: {  	v24 =	vsub.f32 v45, v57;
	v56 =	vmax.f32 v46, $0.0e+00;
	v39 =	vadd.f32 $9.999999960e-13, v39  }
0xcb: {  	v37 =	vadd.f32 $9.999999960e-13, v56;
	v57 =	vmax.f32 v48, $0.0e+00;
	v45 =	vadd.f32 v61, v11  }
0xcc: {  	v46 =	vadd.f32 $9.999999960e-13, v57;
	v58 =	vshra.s32 v39, $0x1;
	v49 =	vmul.f32 $5.000000000e-01, v39  }
0xcd: {  	v59 =	vshra.s32 v37, $0x1;
	v51 =	vmul.f32 $5.000000000e-01, v37;
	v48 =	vsub.s32 $0x5F3759DF, v58  }
0xce: {  	v60 =	vshra.s32 v46, $0x1;
	v46 =	vmul.f32 $5.000000000e-01, v46;
	v53 =	vsub.s32 $0x5F3759DF, v59  }
0xcf: {  	v61 =	vmul.f32 v48, v49;
	v55 =	vsub.s32 $0x5F3759DF, v60;
	v62 =	vmul.f32 v53, v51  }
0xd0: {  	v39 =	vsub.f32 v26, v50;
	v37 =	vsub.f32 v31, v50;
	v26 =	vmul.f32 v55, v46  }
0xd1: {  	v31 =	vsub.f32 v32, v50;
	v63 =	vmul.f32 v48, v61;
	v60 =	vmul.f32 v53, v62  }
0xd2: {  	[tilespmem:s2+$0xB0] =	vst v16;
	v32 =	vsub.f32 v33, v52;
	v33 =	vsub.f32 v34, v52;
	v61 =	vmul.f32 v55, v26  }
0xd3: {  	[tilespmem:s2+$0x90] =	vst v21;
	v16 =	vmul.f32 v23, v6;
	v21 =	vsub.f32 $1.500000000e+00, v63;
	v23 =	vsub.f32 $1.500000000e+00, v60  }
0xd4: {  	[tilespmem:s2+$0x80] =	vst v17;
	v17 =	vmul.f32 v22, v7;
	v34 =	vsub.f32 v41, v52;
	v22 =	vsub.f32 $1.500000000e+00, v61  }
0xd5: {  	[tilespmem:s2+$0xFFFFFF10] =	vst v47;
	v26 =	vsub.f32 v42, v52;
	v42 =	vmul.f32 v48, v21;
	v41 =	vmul.f32 v53, v23  }
0xd6: {  	[tilespmem:s2+$0xFFFFFF00] =	vst v44;
	v30 =	vsub.f32 v30, v50;
	v21 =	vsub.f32 v19, v36;
	v19 =	vmul.f32 v55, v22  }
0xd7: {  	s0 =	simm.s32 $0xD300;
	[tilespmem:s2+$0xFFFFFF20] =	vst v54;
	v63 =	vadd.f32 v35, v11;
	v22 =	vmul.f32 v42, v49;
	v62 =	vmul.f32 v41, v51  }
0xd8: {  	[tilespmem:s0+$0xB0] =	vst v45;
	v36 =	vadd.f32 v40, v8;
	v20 =	vmul.f32 v29, v21;
	v35 =	vmul.f32 v19, v46  }
0xd9: {  	s3 =	simm.s32 $0x4;
	s5 =	sshll.u32 s29, $0x1;
	s12 =	simm.s32 $0xD00;
	[tilespmem:s2+$0xFFFFFF30] =	vst v63;
	v23 =	vmul.f32 v22, v42;
	v22 =	vadd.f32 v38, v9;
	v21 =	vmul.f32 v62, v41  }
.LBB2_3:
0xda: {  	v38 =	vld [tilespmem:s12+$0x80];
	v35 =	vmul.f32 v35, v19;
	v40 =	vmul.f32 v29, v43;
	s31 =	sadd.s32 $0x200, s31;
	[tilespmem:s2+$0xFFFFFF80] =	vst v36;
	v12 =	vadd.f32 v12, v10  }
0xdb: {  	v18 =	vmul.f32 v29, v18;
	v36 =	vld [tilespmem:s31+$0x80];
	v23 =	vsub.f32 $1.500000000e+00, v23;
	v21 =	vsub.f32 $1.500000000e+00, v21;
	[tilespmem:s2+$0xFFFFFF90] =	vst v22  }
0xdc: {  	v20 =	vmul.f32 v20, v4;
	v22 =	vld [tilespmem:s12+$0x90];
	v29 =	vsub.f32 $1.500000000e+00, v35;
	v35 =	vmul.f32 v40, v5;
	[tilespmem:s2+$0xFFFFFFA0] =	vst v12  }
0xdd: {  	v13 =	vadd.f32 v13, v11;
	v12 =	vld [tilespmem:s31+$0x90];
	v23 =	vmul.f32 v23, v42;
	v21 =	vmul.f32 v21, v41  }
0xde: {  	v14 =	vadd.f32 v14, v8;
	v18 =	vmul.f32 v18, v6;
	v40 =	vld [tilespmem:s12+$0xA0];
	v19 =	vmul.f32 v29, v19  }
0xdf: {  	v41 =	vld [tilespmem:s31+$0xA0];
	v24 =	vmul.f32 v23, v24;
	v25 =	vmul.f32 v23, v25;
	[tilespmem:s2+$0xFFFFFFB0] =	vst v13;
	v13 =	vadd.f32 v15, v9  }
0xe0: {  	v27 =	vmul.f32 v23, v27;
	v23 =	vmul.f32 v23, v28;
	v15 =	vld [tilespmem:s12+$0xB0];
	[tilespmem:s2+$0x0] =	vst v14;
	v14 =	vadd.f32 v16, v10  }
0xe1: {  	v28 =	vmul.f32 v21, v30;
	v30 =	vmul.f32 v21, v39;
	v16 =	vld [tilespmem:s31+$0xB0];
	[tilespmem:s2+$0x10] =	vst v13;
	v13 =	vadd.f32 v17, v11  }
0xe2: {  	s3 =	sadd.s32 $0x4, s3;
	v20 =	vadd.f32 v20, v8;
	v31 =	vmul.f32 v21, v31;
	v17 =	vmul.f32 v21, v37;
	v29 =	vld [tilespmem:s31+$0xFFFFFF00];
	[tilespmem:s2+$0x20] =	vst v14  }
0xe3: {  	p1 =	slt.u32 s3, $0xC4;
	v32 =	vmul.f32 v19, v32;
	v33 =	vmul.f32 v19, v33;
	v21 =	vadd.f32 v35, v9;
	v14 =	vld [tilespmem:s12+$0xFFFFFF10];
	[tilespmem:s2+$0x30] =	vst v13;
	s2 =	smov.u32 s0  }
0xe4: {  	v34 =	vmul.f32 v19, v34;
	v35 =	vmul.f32 v19, v26;
	v26 =	vadd.f32 v18, v10;
	v13 =	vld [tilespmem:s31+$0xFFFFFF10];
	[tilespmem:s0+$0x80] =	vst v20  }
0xe5: {  	v19 =	vadd.f32 v36, v38;
	v36 =	vmul.f32 v24, v4;
	v18 =	vadd.f32 v12, v22;
	v37 =	vld [tilespmem:s12+$0xFFFFFF20];
	[tilespmem:s0+$0x90] =	vst v21  }
0xe6: {  	v38 =	vmul.f32 v25, v5;
	v20 =	vadd.f32 v41, v40;
	v12 =	vld [tilespmem:s31+$0xFFFFFF20];
	v24 =	vadd.f32 v16, v15;
	[tilespmem:s0+$0xA0] =	vst v26  }
0xe7: {  	v39 =	vmul.f32 v27, v6;
	v21 =	vmul.f32 v23, v7;
	v16 =	vadd.f32 v18, v19;
	v15 =	vld [tilespmem:s12+$0xFFFFFF30]  }
0xe8: {  	v27 =	vmul.f32 v19, v19;
	v40 =	vmul.f32 v18, v18;
	v26 =	vld [tilespmem:s31+$0xFFFFFF30];
	v22 =	vadd.f32 v24, v20  }
0xe9: {  	v25 =	vadd.f32 v13, v14;
	v41 =	vld [tilespmem:s12+$0xFFFFFF80];
	v13 =	vmul.f32 v20, v20;
	v14 =	vmul.f32 v24, v24  }
0xea: {  	v23 =	vmul.f32 v28, v4;
	v42 =	vld [tilespmem:s31+$0xFFFFFF80];
	v16 =	vadd.f32 v22, v16;
	v22 =	vmul.f32 v30, v5  }
0xeb: {  	v30 =	vadd.f32 v40, v27;
	v43 =	vmul.f32 v25, v25;
	v44 =	vld [tilespmem:s12+$0xFFFFFF90];
	v14 =	vadd.f32 v14, v13  }
0xec: {  	v27 =	vadd.f32 v12, v37;
	v12 =	vmul.f32 v17, v6;
	v13 =	vmul.f32 v31, v7;
	v37 =	vld [tilespmem:s31+$0xFFFFFF90]  }
0xed: {  	v28 =	vadd.f32 v26, v15;
	v17 =	vld [tilespmem:s12+$0xFFFFFFA0];
	v31 =	vadd.f32 v14, v30;
	v15 =	vperm.xlane v16, v0  }
0xee: {  	v40 =	vmul.f32 v27, v27;
	v26 =	vadd.f32 v36, v8;
	v14 =	vmul.f32 v32, v4;
	v45 =	vld [tilespmem:s31+$0xFFFFFFA0]  }
0xef: {  	v30 =	vadd.f32 v42, v41;
	v32 =	vld [tilespmem:s12+$0xFFFFFFB0];
	v36 =	vadd.f32 v16, v15;
	v16 =	vperm.xlane v31, v0  }
0xf0: {  	v41 =	vadd.f32 v28, v27;
	v42 =	vmul.f32 v28, v28;
	v15 =	vmul.f32 v33, v5;
	v46 =	vld [tilespmem:s31+$0xFFFFFFB0];
	[tilespmem:s0+$0xFFFFFF00] =	vst v26  }
0xf1: {  	v26 =	vadd.f32 v37, v44;
	v33 =	vld [tilespmem:s12+$0x0];
	v37 =	vperm.xlane v36, v1;
	v44 =	vadd.f32 v16, v31  }
0xf2: {  	v40 =	vadd.f32 v42, v40;
	v42 =	vmul.f32 v30, v30;
	v16 =	vmul.f32 v35, v6;
	v47 =	vld [tilespmem:s31+$0x0]  }
0xf3: {  	v31 =	vadd.f32 v45, v17;
	v35 =	vld [tilespmem:s12+$0x10];
	v36 =	vadd.f32 v36, v37;
	v37 =	vperm.xlane v44, v1  }
0xf4: {  	v45 =	vadd.f32 v26, v30;
	v48 =	vmul.f32 v26, v26;
	v17 =	vmul.f32 v34, v7;
	v49 =	vld [tilespmem:s31+$0x10]  }
0xf5: {  	v32 =	vadd.f32 v46, v32;
	v46 =	vld [tilespmem:s12+$0x20];
	v34 =	vperm.xlane v36, v2;
	v37 =	vadd.f32 v37, v44  }
0xf6: {  	v38 =	vadd.f32 v38, v9;
	v42 =	vadd.f32 v48, v42;
	v44 =	vmul.f32 v31, v31;
	v48 =	vld [tilespmem:s31+$0x20]  }
0xf7: {  	v33 =	vadd.f32 v47, v33;
	v47 =	vld [tilespmem:s12+$0x30];
	v50 =	vadd.f32 v36, v34;
	v36 =	vperm.xlane v37, v2  }
0xf8: {  	v51 =	vadd.f32 v32, v31;
	v52 =	vmul.f32 v32, v32;
	v53 =	vld [tilespmem:s31+$0x30];
	[tilespmem:s0+$0xFFFFFF10] =	vst v38;
	v38 =	vadd.f32 v39, v10  }
0xf9: {  	v39 =	vld [tilespmem:s12+$0xFFFFFF00];
	v34 =	vadd.f32 v49, v35;
	v35 =	vperm.xlane v50, v3;
	v37 =	vadd.f32 v36, v37  }
0xfa: {  	v45 =	vadd.f32 v51, v45;
	v44 =	vadd.f32 v52, v44;
	v49 =	vmul.f32 v33, v33;
	[tilespmem:s0+$0xFFFFFF20] =	vst v38  }
0xfb: {  	v36 =	vadd.f32 v48, v46;
	v35 =	vadd.f32 v50, v35;
	v46 =	vperm.xlane v37, v3  }
0xfc: {  	v42 =	vadd.f32 v44, v42;
	v44 =	vadd.f32 v34, v33;
	v48 =	vmul.f32 v34, v34  }
0xfd: {  	v38 =	vadd.f32 v53, v47;
	v35 =	vmul.f32 $1.562500000e-02, v35;
	v37 =	vadd.f32 v46, v37  }
0xfe: {  	v46 =	vmul.f32 v36, v36;
	v39 =	vadd.f32 v29, v39;
	v29 =	vadd.f32 v48, v49  }
0xff: {  	v47 =	vadd.f32 v38, v36;
	v37 =	vmul.f32 $1.562500000e-02, v37;
	v48 =	vmul.f32 v35, v35  }
0x100: {  	v51 =	vmul.f32 v38, v38;
	v49 =	vadd.f32 v25, v39;
	v50 =	vmul.f32 v39, v39  }
0x101: {  	v52 =	vperm.xlane v45, v0;
	v44 =	vadd.f32 v47, v44;
	v37 =	vsub.f32 v37, v48  }
0x102: {  	v47 =	vperm.xlane v42, v0;
	v41 =	vadd.f32 v41, v49;
	v43 =	vadd.f32 v43, v50  }
0x103: {  	v46 =	vadd.f32 v51, v46;
	v48 =	vperm.xlane v44, v0;
	v37 =	vmax.f32 v37, $0.0e+00  }
0x104: {  	v40 =	vadd.f32 v40, v43;
	v43 =	vperm.xlane v41, v0;
	v37 =	vadd.f32 $9.999999960e-13, v37  }
0x105: {  	v45 =	vadd.f32 v45, v52;
	v29 =	vadd.f32 v46, v29  }
0x106: {  	v41 =	vadd.f32 v41, v43;
	v43 =	vshra.s32 v37, $0x1;
	v37 =	vmul.f32 $5.000000000e-01, v37  }
0x107: {  	v44 =	vadd.f32 v44, v48;
	v46 =	vperm.xlane v40, v0;
	v43 =	vsub.s32 $0x5F3759DF, v43  }
0x108: {  	v42 =	vadd.f32 v47, v42;
	v47 =	vperm.xlane v29, v0;
	v48 =	vmul.f32 v43, v37  }
0x109: {  	v49 =	vperm.xlane v41, v1;
	v40 =	vadd.f32 v46, v40;
	v46 =	vperm.xlane v45, v1  }
0x10a: {  	v50 =	vperm.xlane v44, v1;
	v29 =	vadd.f32 v47, v29;
	v47 =	vmul.f32 v43, v48  }
0x10b: {  	v41 =	vadd.f32 v41, v49;
	v48 =	vperm.xlane v40, v1;
	v45 =	vadd.f32 v45, v46  }
0x10c: {  	v44 =	vadd.f32 v44, v50;
	v46 =	vperm.xlane v42, v1;
	v47 =	vsub.f32 $1.500000000e+00, v47  }
0x10d: {  	v49 =	vperm.xlane v41, v2;
	v40 =	vadd.f32 v48, v40;
	v48 =	vperm.xlane v29, v1  }
0x10e: {  	v50 =	vperm.xlane v45, v2;
	v42 =	vadd.f32 v46, v42;
	v43 =	vmul.f32 v43, v47  }
0x10f: {  	v46 =	vperm.xlane v44, v2;
	v41 =	vadd.f32 v41, v49;
	v29 =	vadd.f32 v48, v29  }
0x110: {  	v47 =	vperm.xlane v40, v2;
	v45 =	vadd.f32 v45, v50;
	v37 =	vmul.f32 v43, v37  }
0x111: {  	v48 =	vperm.xlane v42, v2;
	v44 =	vadd.f32 v44, v46;
	v46 =	vperm.xlane v29, v2  }
0x112: {  	v49 =	vperm.xlane v41, v3;
	v40 =	vadd.f32 v47, v40;
	v37 =	vmul.f32 v37, v43  }
0x113: {  	v47 =	vperm.xlane v45, v3;
	v42 =	vadd.f32 v48, v42;
	v48 =	vperm.xlane v44, v3  }
0x114: {  	v50 =	vperm.xlane v40, v3;
	v46 =	vadd.f32 v46, v29;
	v29 =	vsub.f32 $1.500000000e+00, v37  }
0x115: {  	v37 =	vadd.f32 v41, v49;
	v41 =	vadd.f32 v45, v47;
	v45 =	vperm.xlane v42, v3  }
0x116: {  	v24 =	vsub.f32 v24, v35;
	v44 =	vadd.f32 v44, v48;
	v29 =	vmul.f32 v29, v43  }
0x117: {  	v40 =	vadd.f32 v50, v40;
	v37 =	vmul.f32 $1.562500000e-02, v37;
	v43 =	vperm.xlane v46, v3  }
0x118: {  	v41 =	vmul.f32 $1.562500000e-02, v41;
	v42 =	vadd.f32 v45, v42;
	v45 =	vmul.f32 v29, v24  }
0x119: {  	v44 =	vmul.f32 $1.562500000e-02, v44;
	v40 =	vmul.f32 $1.562500000e-02, v40;
	v43 =	vadd.f32 v43, v46  }
0x11a: {  	v46 =	vmul.f32 v37, v37;
	v24 =	vsub.f32 v39, v37;
	v39 =	vmul.f32 v45, v7  }
0x11b: {  	v25 =	vsub.f32 v25, v37;
	v42 =	vmul.f32 $1.562500000e-02, v42;
	v45 =	vmul.f32 v41, v41  }
0x11c: {  	v47 =	vmul.f32 v44, v44;
	v43 =	vmul.f32 $1.562500000e-02, v43;
	v39 =	vadd.f32 v39, v11  }
0x11d: {  	s0 =	sadd.s32 $0x200, s0;
	v40 =	vsub.f32 v40, v46;
	v42 =	vsub.f32 v42, v45  }
0x11e: {  	v27 =	vsub.f32 v27, v37;
	v43 =	vsub.f32 v43, v47;
	[tilespmem:s0+$0xB0] =	vst v39  }
0x11f: {  	v28 =	vsub.f32 v28, v37;
	v39 =	vmax.f32 v40, $0.0e+00;
	v37 =	vmax.f32 v42, $0.0e+00  }
0x120: {  	v40 =	vmax.f32 v43, $0.0e+00;
	v39 =	vadd.f32 $9.999999960e-13, v39;
	v37 =	vadd.f32 $9.999999960e-13, v37  }
0x121: {  	v30 =	vsub.f32 v30, v41;
	v40 =	vadd.f32 $9.999999960e-13, v40  }
0x122: {  	v42 =	vshra.s32 v39, $0x1;
	v45 =	vmul.f32 $5.000000000e-01, v39;
	v39 =	vshra.s32 v37, $0x1  }
0x123: {  	v46 =	vmul.f32 $5.000000000e-01, v37;
	v37 =	vshra.s32 v40, $0x1;
	v40 =	vmul.f32 $5.000000000e-01, v40  }
0x124: {  	v42 =	vsub.s32 $0x5F3759DF, v42;
	v43 =	vsub.s32 $0x5F3759DF, v39;
	v47 =	vsub.s32 $0x5F3759DF, v37  }
0x125: {  	v39 =	vsub.f32 v26, v41;
	v48 =	vmul.f32 v42, v45;
	v49 =	vmul.f32 v43, v46  }
0x126: {  	v37 =	vsub.f32 v31, v41;
	v31 =	vsub.f32 v32, v41;
	v26 =	vmul.f32 v47, v40  }
0x127: {  	v32 =	vsub.f32 v33, v44;
	v41 =	vmul.f32 v42, v48;
	v48 =	vmul.f32 v43, v49  }
0x128: {  	v33 =	vsub.f32 v34, v44;
	v49 =	vmul.f32 v47, v26;
	v26 =	vsub.f32 v36, v44  }
0x129: {  	v36 =	vsub.f32 $1.500000000e+00, v41;
	v41 =	vsub.f32 $1.500000000e+00, v48  }
0x12a: {  	v34 =	vsub.f32 v38, v44;
	v48 =	vsub.f32 $1.500000000e+00, v49  }
.Ltmp0:
0x12b: {  	v42 =	vmul.f32 v42, v36;
	v41 =	vmul.f32 v43, v41;
	v36 =	vsub.f32 v19, v35;
	(pc) =	sbr.rel @p1 .LBB2_3-.Ltmp0, $4  }
0x12c: {  	v19 =	vmul.f32 v47, v48;
	v43 =	vsub.f32 v18, v35;
	v18 =	vsub.f32 v20, v35  }
0x12d: {  	v38 =	vmul.f32 v42, v45;
	v44 =	vmul.f32 v41, v46;
	v45 =	vadd.f32 v21, v11  }
0x12e: {  	v35 =	vmul.f32 v19, v40;
	v20 =	vmul.f32 v29, v36;
	v36 =	vadd.f32 v23, v8  }
0x12f: {  	v22 =	vadd.f32 v22, v9;
	s12 =	sadd.s32 $0x200, s12;
	v23 =	vmul.f32 v38, v42;
	v21 =	vmul.f32 v44, v41;
	[tilespmem:s2+$0xFFFFFF30] =	vst v45  }
0x130: {  	v35 =	vmul.f32 v35, v19;
	[tilespmem:s2+$0xFFFFFF80] =	vst v36;
	v12 =	vadd.f32 v12, v10;
	v57 =	vmul.f32 v29, v43  }
0x131: {  	v13 =	vadd.f32 v13, v11;
	v18 =	vmul.f32 v29, v18;
	v23 =	vsub.f32 $1.500000000e+00, v23;
	[tilespmem:s2+$0xFFFFFF90] =	vst v22  }
0x132: {  	v59 =	vadd.f32 v14, v8;
	v60 =	vmul.f32 v20, v4;
	v62 =	vadd.f32 v15, v9;
	[tilespmem:s2+$0xFFFFFFA0] =	vst v12  }
0x133: {  	v29 =	vadd.f32 v16, v10;
	v21 =	vsub.f32 $1.500000000e+00, v21;
	[tilespmem:s2+$0xFFFFFFB0] =	vst v13;
	v61 =	vmul.f32 v23, v42  }
0x134: {  	v58 =	vsub.f32 $1.500000000e+00, v35;
	v63 =	vmul.f32 v57, v5;
	[tilespmem:s2+$0x0] =	vst v59;
	v40 =	vmul.f32 v18, v6  }
0x135: {  	v38 =	vadd.f32 v17, v11;
	[tilespmem:s2+$0x10] =	vst v62;
	v21 =	vmul.f32 v21, v41;
	v36 =	vmul.f32 v61, v24  }
0x136: {  	v14 =	vadd.f32 v60, v8;
	[tilespmem:s2+$0x20] =	vst v29;
	v35 =	vmul.f32 v58, v19;
	v41 =	vmul.f32 v61, v25  }
0x137: {  	[tilespmem:s2+$0x30] =	vst v38;
	v15 =	vadd.f32 v63, v9;
	v42 =	vmul.f32 v61, v27;
	v43 =	vmul.f32 v36, v4  }
0x138: {  	[tilespmem:s0+$0x80] =	vst v14;
	v45 =	vadd.f32 v40, v10;
	v44 =	vmul.f32 v61, v28;
	v46 =	vmul.f32 v41, v5  }
0x139: {  	v47 =	vmul.f32 v21, v30;
	[tilespmem:s0+$0x90] =	vst v15;
	v12 =	vmul.f32 v42, v6;
	v13 =	vadd.f32 v43, v8  }
0x13a: {  	v48 =	vmul.f32 v21, v39;
	[tilespmem:s0+$0xA0] =	vst v45;
	v49 =	vmul.f32 v44, v7;
	v17 =	vadd.f32 v46, v9  }
0x13b: {  	v50 =	vmul.f32 v21, v37;
	v18 =	vmul.f32 v47, v4;
	v12 =	vadd.f32 v12, v10;
	[tilespmem:s0+$0xFFFFFF00] =	vst v13  }
0x13c: {  	v56 =	vmul.f32 v35, v26;
	v15 =	vmul.f32 v48, v5;
	v14 =	vadd.f32 v49, v11;
	[tilespmem:s0+$0xFFFFFF10] =	vst v17  }
0x13d: {  	v16 =	vmul.f32 v35, v34;
	v19 =	vmul.f32 v50, v6;
	v53 =	vadd.f32 v18, v8;
	[tilespmem:s0+$0xFFFFFF20] =	vst v12  }
0x13e: {  	v54 =	vmul.f32 v35, v33;
	v58 =	vmul.f32 v56, v6;
	v55 =	vadd.f32 v15, v9;
	[tilespmem:s0+$0xFFFFFF30] =	vst v14  }
0x13f: {  	v51 =	vmul.f32 v21, v31;
	v60 =	vmul.f32 v16, v7;
	v57 =	vadd.f32 v19, v10;
	[tilespmem:s0+$0xFFFFFF80] =	vst v53  }
0x140: {  	v52 =	vmul.f32 v35, v32;
	v18 =	vmul.f32 v54, v5;
	v62 =	vadd.f32 v58, v10;
	[tilespmem:s0+$0xFFFFFF90] =	vst v55  }
0x141: {  	v63 =	vadd.f32 v60, v11;
	v13 =	vmul.f32 v51, v7;
	[tilespmem:s0+$0xFFFFFFA0] =	vst v57  }
0x142: {  	s12 =	sadd.s32 s8, s5;
	v17 =	vmul.f32 v52, v4;
	v61 =	vadd.f32 v18, v9;
	[tilespmem:s0+$0x20] =	vst v62  }
0x143: {  	s2 =	smul.u32 $0xC80, s12;
	[tilespmem:s0+$0x30] =	vst v63;
	v13 =	vadd.f32 v13, v11  }
0x144: {  	v59 =	vadd.f32 v17, v8;
	[tilespmem:s0+$0x10] =	vst v61  }
0x145: {  	s31 =	sadd.s32 s9, s2;
	s2 =	sadd.s32 $0x2, s5;
	[tilespmem:s0+$0xFFFFFFB0] =	vst v13  }
0x146: {  	p1 =	seq.s32 s29, $0x3F;
	[tilespmem:s0+$0x0] =	vst v59;
	s0 =	sand.u32 $0x6, s2  }
0x147: {  	p2 =	sne.s32 @!p1 s0, $0x0  }
0x148: {  	p2 =	por p1, p2  }
.Ltmp1:
0x149: {  	_ = 	snop;
	(pc) =	sbr.rel @p2 .LBB2_6-.Ltmp1, $4  }
0x14a: {  	[hbm4b:s31+s4] =	stream.linear.scatter [tilespmem:s24], [sflag:$0x2], $0x6400, $0x38;
	[tilespmem:$0x1FD00] =	vst v63  }
0x14b: {  	_ =	swait.ge [sflag:s21], $0x6400  }
0x14c: {  	[sflag:s21] =	ssyncset.done $0x0  }
0x14d: {  	[sflag:s21] =	ssyncadd.s32 $0xFFFF9C00  }
0x14e: {  	s2 =	sadd.s32 s8, s2  }
0x14f: {  	s2 =	sshll.u32 s2, $0x5  }
0x150: {  	s2 =	sadd.s32 s1, s2  }
0x151: {  	[tilespmem:s4], [sflag:$0x3] =	stream.linear.gather [hbm4b:s2+s4], $0x800, $0x38;
	[tilespmem:$0x1FD00] =	vst v63  }
0x152: {  	_ =	swait.ge [sflag:s13], $0x800  }
0x153: {  	[sflag:s13] =	ssyncset.done $0x0  }
0x154: {  	[sflag:s13] =	ssyncadd.s32 $0xFFFFF800  }
.LBB2_7:
.Ltmp2:
0x155: {  	(pc) =	sbr.rel @!p0 .LBB2_8-.Ltmp2, $4  }
.Ltmp3:
0x156: {  	s0 =	sshll.u32 s0, $0x7;
	(pc) =	sbr.rel @p0 .LBB2_9-.Ltmp3, $4  }
0x157: {  	[tilespmem:s17], [sflag:$0x1] =	stream.indirect.gather [hbm4b:s6+s16], $0x80, s0, s16, $0xb8;
	[tilespmem:$0x1FD00] =	vst v63  }
0x158: {  	s0 =	sor.u32 $0x400, s0  }
0x159: {  	[tilespmem:s20], [sflag:$0x1] =	stream.indirect.gather [hbm4b:s6+s18], $0x80, s0, s18, $0xb8;
	[tilespmem:$0x1FD00] =	vst v63  }
0x15a: {  	_ = 	snop  }
.LBB2_6:
.Ltmp4:
0x15b: {  	(pc) =	sbr.rel @!p1 .LBB2_7-.Ltmp4, $1  }
0x15c: {  	_ =	sdelay $0x3  }
.LBB2_8:
0x15d: {  	_ =	swait.ge [sflag:s26], $0x6400  }
0x15e: {  	[sflag:s26] =	ssyncset.done $0x0  }
0x15f: {  	[sflag:s26] =	ssyncadd.s32 $0xFFFF9C00  }
.LBB2_9:
0x160: {  	s0 =	simm.s32 $0x6D00  }
0x161: {  	s2 =	simm.s32 $0x19900;
	v12 =	vld [tilespmem:s0+$0x80]  }
0x162: {  	v13 =	vld [tilespmem:s2+$0x80]  }
0x163: {  	v15 =	vld [tilespmem:s0+$0x90]  }
0x164: {  	v16 =	vld [tilespmem:s2+$0x90]  }
0x165: {  	v17 =	vld [tilespmem:s0+$0xA0]  }
0x166: {  	v18 =	vld [tilespmem:s2+$0xA0]  }
0x167: {  	v19 =	vld [tilespmem:s0+$0xB0]  }
0x168: {  	v20 =	vld [tilespmem:s2+$0xB0]  }
0x169: {  	v28 =	vld [tilespmem:s2+$0xFFFFFF00]  }
0x16a: {  	v21 =	vld [tilespmem:s0+$0xFFFFFF10]  }
0x16b: {  	v23 =	vld [tilespmem:s0+$0xFFFFFF20]  }
0x16c: {  	v26 =	vld [tilespmem:s0+$0xFFFFFF80]  }
0x16d: {  	v30 =	vld [tilespmem:s2+$0xFFFFFF80];
	v14 =	vadd.f32 v13, v12;
	v13 =	vadd.f32 v16, v15  }
0x16e: {  	v41 =	vld [tilespmem:s0+$0xFFFFFF00];
	v12 =	vadd.f32 v18, v17;
	v16 =	vadd.f32 v20, v19  }
0x16f: {  	v17 =	vld [tilespmem:s0+$0xFFFFFF30];
	v18 =	vadd.f32 v13, v14  }
0x170: {  	v19 =	vld [tilespmem:s2+$0xFFFFFF30];
	v20 =	vadd.f32 v16, v12;
	v24 =	vmul.f32 v14, v14;
	v25 =	vmul.f32 v13, v13  }
0x171: {  	v15 =	vld [tilespmem:s2+$0xFFFFFF20];
	v27 =	vmul.f32 v12, v12;
	v29 =	vmul.f32 v16, v16  }
0x172: {  	v22 =	vld [tilespmem:s2+$0xFFFFFF10];
	v20 =	vadd.f32 v20, v18  }
0x173: {  	v31 =	vld [tilespmem:s0+$0xFFFFFF90];
	v18 =	vadd.f32 v25, v24;
	v24 =	vadd.f32 v29, v27  }
0x174: {  	v32 =	vld [tilespmem:s0+$0xFFFFFFB0];
	v28 =	vadd.f32 v28, v41  }
0x175: {  	v27 =	vld [tilespmem:s2+$0xFFFFFF90];
	v17 =	vadd.f32 v19, v17;
	v24 =	vadd.f32 v24, v18;
	v25 =	vperm.xlane v20, v0  }
0x176: {  	v41 =	vmul.f32 v28, v28;
	v29 =	vld [tilespmem:s0+$0xFFFFFFA0];
	v19 =	vadd.f32 v30, v26;
	v18 =	vadd.f32 v15, v23  }
0x177: {  	v15 =	vld [tilespmem:s2+$0xFFFFFFA0];
	v26 =	vmul.f32 v17, v17;
	v20 =	vadd.f32 v20, v25;
	v23 =	vperm.xlane v24, v0  }
0x178: {  	v30 =	vld [tilespmem:s0+$0x0];
	v51 =	vmul.f32 v19, v19;
	v25 =	vadd.f32 v22, v21;
	v21 =	vmul.f32 v18, v18  }
0x179: {  	v22 =	vld [tilespmem:s2+$0xFFFFFFB0];
	v35 =	vadd.f32 v17, v18;
	v33 =	vperm.xlane v20, v1;
	v34 =	vadd.f32 v23, v24  }
0x17a: {  	v23 =	vadd.f32 v27, v31;
	v27 =	vld [tilespmem:s2+$0x0];
	v31 =	vadd.f32 v26, v21;
	v58 =	vmul.f32 v25, v25  }
0x17b: {  	v21 =	vld [tilespmem:s0+$0x10];
	v61 =	vadd.f32 v25, v28;
	v20 =	vadd.f32 v20, v33;
	v26 =	vperm.xlane v34, v1  }
0x17c: {  	v24 =	vadd.f32 v15, v29;
	v29 =	vld [tilespmem:s2+$0x10];
	v15 =	vmul.f32 v23, v23;
	v36 =	vadd.f32 v23, v19  }
0x17d: {  	v35 =	vadd.f32 v35, v61;
	v38 =	vperm.xlane v20, v2;
	v34 =	vadd.f32 v26, v34  }
0x17e: {  	v37 =	vld [tilespmem:s0+$0x20];
	v52 =	vmul.f32 v24, v24;
	v26 =	vadd.f32 v22, v32;
	v15 =	vadd.f32 v15, v51  }
0x17f: {  	v53 =	vld [tilespmem:s0+$0x30];
	v32 =	vadd.f32 v58, v41;
	v44 =	vperm.xlane v35, v0;
	v38 =	vadd.f32 v20, v38  }
0x180: {  	v22 =	vld [tilespmem:s2+$0x20];
	v39 =	vperm.xlane v34, v2;
	v20 =	vadd.f32 v27, v30;
	v27 =	vadd.f32 v26, v24  }
0x181: {  	v40 =	vld [tilespmem:s2+$0x30];
	v30 =	vmul.f32 v26, v26;
	v21 =	vadd.f32 v29, v21;
	v31 =	vadd.f32 v31, v32  }
0x182: {  	v32 =	vadd.f32 v35, v44;
	v29 =	vperm.xlane v38, v3;
	v34 =	vadd.f32 v39, v34  }
0x183: {  	v36 =	vadd.f32 v27, v36;
	v27 =	vadd.f32 v30, v52;
	v30 =	vmul.f32 v20, v20  }
0x184: {  	v56 =	vadd.f32 v21, v20;
	v57 =	vmul.f32 v21, v21;
	v47 =	vperm.xlane v31, v0  }
0x185: {  	v50 =	vperm.xlane v32, v1;
	v22 =	vadd.f32 v22, v37;
	v29 =	vadd.f32 v38, v29  }
0x186: {  	v54 =	vperm.xlane v34, v3;
	v55 =	vadd.f32 v27, v15;
	v15 =	vadd.f32 v40, v53  }
0x187: {  	v30 =	vadd.f32 v57, v30;
	v62 =	vperm.xlane v36, v0;
	v31 =	vadd.f32 v47, v31  }
0x188: {  	v32 =	vadd.f32 v32, v50;
	v60 =	vmul.f32 v22, v22;
	v27 =	vmul.f32 $1.562500000e-02, v29  }
0x189: {  	v29 =	vadd.f32 v54, v34;
	v33 =	vadd.f32 v15, v22;
	v42 =	vmul.f32 v15, v15  }
0x18a: {  	v63 =	vperm.xlane v55, v0;
	v34 =	vadd.f32 v36, v62;
	v54 =	vperm.xlane v31, v1  }
0x18b: {  	v40 =	vperm.xlane v32, v2;
	v29 =	vmul.f32 $1.562500000e-02, v29;
	v33 =	vadd.f32 v33, v56  }
0x18c: {  	v59 =	vmul.f32 v27, v27;
	v39 =	vadd.f32 v42, v60;
	v37 =	vadd.f32 v63, v55  }
0x18d: {  	v51 =	vperm.xlane v34, v1;
	v31 =	vadd.f32 v54, v31;
	v32 =	vadd.f32 v32, v40  }
0x18e: {  	v16 =	vsub.f32 v16, v27;
	v29 =	vsub.f32 v29, v59;
	v45 =	vperm.xlane v33, v0  }
0x18f: {  	v30 =	vadd.f32 v39, v30;
	v34 =	vadd.f32 v34, v51;
	v55 =	vperm.xlane v37, v1  }
0x190: {  	v58 =	vperm.xlane v31, v2;
	v62 =	vperm.xlane v32, v3;
	v29 =	vmax.f32 v29, $0.0e+00  }
0x191: {  	v33 =	vadd.f32 v33, v45;
	v48 =	vperm.xlane v30, v0;
	v36 =	vadd.f32 v55, v37  }
0x192: {  	v57 =	vperm.xlane v34, v2;
	v31 =	vadd.f32 v58, v31;
	v32 =	vadd.f32 v32, v62  }
0x193: {  	v29 =	vadd.f32 $9.999999960e-13, v29;
	v52 =	vperm.xlane v33, v1;
	v30 =	vadd.f32 v48, v30  }
0x194: {  	v34 =	vadd.f32 v34, v57;
	v60 =	vperm.xlane v36, v2;
	v44 =	vperm.xlane v31, v3  }
0x195: {  	v32 =	vmul.f32 $1.562500000e-02, v32;
	v46 =	vshra.s32 v29, $0x1;
	v29 =	vmul.f32 $5.000000000e-01, v29  }
0x196: {  	v35 =	vsub.s32 $0x5F3759DF, v46;
	v33 =	vadd.f32 v33, v52;
	v56 =	vperm.xlane v30, v1  }
0x197: {  	v14 =	vsub.f32 v14, v27;
	v63 =	vperm.xlane v34, v3;
	v49 =	vmul.f32 v35, v29  }
0x198: {  	v36 =	vadd.f32 v60, v36;
	v30 =	vadd.f32 v56, v30;
	v59 =	vperm.xlane v33, v2  }
0x199: {  	v31 =	vadd.f32 v44, v31;
	v48 =	vmul.f32 v32, v32;
	v53 =	vmul.f32 v35, v49  }
0x19a: {  	v46 =	vperm.xlane v36, v3;
	v61 =	vperm.xlane v30, v2;
	v33 =	vadd.f32 v33, v59  }
0x19b: {  	v34 =	vadd.f32 v34, v63;
	v31 =	vmul.f32 $1.562500000e-02, v31;
	v38 =	vsub.f32 $1.500000000e+00, v53  }
0x19c: {  	v36 =	vadd.f32 v46, v36;
	v45 =	vperm.xlane v33, v3;
	v30 =	vadd.f32 v61, v30  }
0x19d: {  	v34 =	vmul.f32 $1.562500000e-02, v34;
	v31 =	vsub.f32 v31, v48;
	v35 =	vmul.f32 v35, v38  }
0x19e: {  	v36 =	vmul.f32 $1.562500000e-02, v36;
	v33 =	vadd.f32 v33, v45;
	v47 =	vperm.xlane v30, v3  }
0x19f: {  	v13 =	vsub.f32 v13, v27;
	v49 =	vmul.f32 v34, v34;
	v29 =	vmul.f32 v35, v29  }
0x1a0: {  	v31 =	vmax.f32 v31, $0.0e+00;
	v33 =	vmul.f32 $1.562500000e-02, v33;
	v30 =	vadd.f32 v47, v30  }
0x1a1: {  	v31 =	vadd.f32 $9.999999960e-13, v31;
	v36 =	vsub.f32 v36, v49;
	v29 =	vmul.f32 v29, v35  }
0x1a2: {  	v12 =	vsub.f32 v12, v27;
	v30 =	vmul.f32 $1.562500000e-02, v30;
	v50 =	vmul.f32 v33, v33  }
0x1a3: {  	v52 =	vshra.s32 v31, $0x1;
	v31 =	vmul.f32 $5.000000000e-01, v31;
	v51 =	vmax.f32 v36, $0.0e+00  }
0x1a4: {  	v36 =	vsub.s32 $0x5F3759DF, v52;
	v29 =	vsub.f32 $1.500000000e+00, v29;
	v30 =	vsub.f32 v30, v50  }
0x1a5: {  	v28 =	vsub.f32 v28, v32;
	v25 =	vsub.f32 v25, v32;
	v55 =	vmul.f32 v36, v31  }
0x1a6: {  	v29 =	vmul.f32 v29, v35;
	v35 =	vadd.f32 $9.999999960e-13, v51;
	v30 =	vmax.f32 v30, $0.0e+00  }
0x1a7: {  	v58 =	vsub.f32 v18, v32;
	v30 =	vadd.f32 $9.999999960e-13, v30  }
0x1a8: {  	v17 =	vsub.f32 v17, v32;
	v39 =	vmul.f32 v36, v55;
	v53 =	vshra.s32 v35, $0x1  }
0x1a9: {  	s12 =	simm.s32 $0x6F00;
	v35 =	vmul.f32 $5.000000000e-01, v35;
	v54 =	vshra.s32 v30, $0x1;
	v30 =	vmul.f32 $5.000000000e-01, v30  }
0x1aa: {  	s31 =	simm.s32 $0x19B00;
	v61 =	vld [tilespmem:s12+$0x80];
	v39 =	vsub.f32 $1.500000000e+00, v39;
	v37 =	vsub.s32 $0x5F3759DF, v53;
	v38 =	vsub.s32 $0x5F3759DF, v54  }
0x1ab: {  	v62 =	vsub.f32 v19, v34;
	v19 =	vld [tilespmem:s31+$0x80];
	v56 =	vmul.f32 v37, v35;
	v57 =	vmul.f32 v38, v30  }
0x1ac: {  	v23 =	vsub.f32 v23, v34;
	v16 =	vmul.f32 v29, v16;
	v59 =	vmul.f32 v36, v39  }
0x1ad: {  	v63 =	vsub.f32 v24, v34;
	v40 =	vmul.f32 v37, v56;
	v41 =	vmul.f32 v38, v57  }
0x1ae: {  	v26 =	vsub.f32 v26, v34;
	v14 =	vmul.f32 v29, v14;
	v24 =	vmul.f32 v59, v31  }
0x1af: {  	v46 =	vld [tilespmem:s31+$0xFFFFFF10];
	v13 =	vmul.f32 v29, v13;
	v40 =	vsub.f32 $1.500000000e+00, v40;
	v18 =	vsub.f32 $1.500000000e+00, v41  }
0x1b0: {  	v52 =	vld [tilespmem:s12+$0xB0];
	v19 =	vadd.f32 v19, v61;
	v12 =	vmul.f32 v29, v12;
	v24 =	vmul.f32 v24, v59  }
0x1b1: {  	v43 =	vsub.f32 v20, v33;
	v29 =	vld [tilespmem:s31+$0xB0];
	v60 =	vmul.f32 v37, v40;
	v18 =	vmul.f32 v38, v18  }
0x1b2: {  	v49 =	vld [tilespmem:s12+$0x90];
	v16 =	vmul.f32 v16, v7;
	v14 =	vmul.f32 v14, v4;
	v24 =	vsub.f32 $1.500000000e+00, v24  }
0x1b3: {  	v21 =	vsub.f32 v21, v33;
	v50 =	vld [tilespmem:s31+$0x90];
	v31 =	vmul.f32 v60, v35;
	v30 =	vmul.f32 v18, v30  }
0x1b4: {  	v22 =	vsub.f32 v22, v33;
	v51 =	vld [tilespmem:s12+$0xA0];
	v44 =	vmul.f32 v13, v5;
	v13 =	vmul.f32 v24, v59  }
0x1b5: {  	v33 =	vsub.f32 v15, v33;
	v31 =	vmul.f32 v31, v60;
	v27 =	vmul.f32 v30, v18;
	v30 =	vld [tilespmem:s31+$0xA0]  }
0x1b6: {  	v53 =	vld [tilespmem:s12+$0xFFFFFF10];
	v24 =	vadd.f32 v29, v52;
	v54 =	vmul.f32 v13, v28;
	v25 =	vmul.f32 v13, v25  }
0x1b7: {  	v34 =	vmul.f32 v13, v58;
	v29 =	vmul.f32 v13, v17;
	v31 =	vsub.f32 $1.500000000e+00, v31  }
0x1b8: {  	v42 =	vld [tilespmem:s12+$0xFFFFFF80];
	v58 =	vmul.f32 v19, v19;
	v47 =	vmul.f32 v24, v24;
	v27 =	vsub.f32 $1.500000000e+00, v27  }
0x1b9: {  	v55 =	vld [tilespmem:s31+$0xFFFFFF20];
	v16 =	vadd.f32 v16, v11;
	v52 =	vmul.f32 v25, v5;
	v31 =	vmul.f32 v31, v60  }
0x1ba: {  	v56 =	vld [tilespmem:s12+$0xFFFFFFA0];
	v27 =	vmul.f32 v27, v18;
	v18 =	vadd.f32 v50, v49;
	v20 =	vadd.f32 v30, v51  }
0x1bb: {  	v57 =	vld [tilespmem:s31+$0xFFFFFF30];
	v37 =	vadd.f32 v46, v53;
	v39 =	vmul.f32 v31, v62;
	v48 =	vmul.f32 v31, v23  }
0x1bc: {  	v28 =	vld [tilespmem:s12+$0xFFFFFF20];
	v13 =	vadd.f32 v18, v19;
	v59 =	vmul.f32 v18, v18;
	v17 =	vadd.f32 v24, v20  }
0x1bd: {  	v52 =	vadd.f32 v52, v9;
	v60 =	vld [tilespmem:s31+$0xFFFFFF90];
	v49 =	vmul.f32 v31, v63;
	v15 =	vmul.f32 v20, v20  }
0x1be: {  	v30 =	vld [tilespmem:s12+$0xFFFFFF30];
	v23 =	vadd.f32 v59, v58;
	v50 =	vadd.f32 v17, v13;
	v13 =	vmul.f32 v31, v26  }
0x1bf: {  	v63 =	vld [tilespmem:s12+$0xFFFFFFB0];
	v31 =	vadd.f32 v47, v15;
	v17 =	vadd.f32 v14, v8;
	v14 =	vmul.f32 v27, v43  }
0x1c0: {  	v58 =	vld [tilespmem:s31+$0xFFFFFFB0];
	v15 =	vmul.f32 v27, v21;
	v21 =	vadd.f32 v44, v9;
	v44 =	vmul.f32 v54, v4  }
0x1c1: {  	v26 =	vld [tilespmem:s12+$0xFFFFFF90];
	v54 =	vmul.f32 v34, v6;
	v31 =	vadd.f32 v31, v23;
	v61 =	vperm.xlane v50, v0  }
0x1c2: {  	v38 =	vld [tilespmem:s31+$0xFFFFFF80];
	v23 =	vmul.f32 v27, v22;
	v22 =	vmul.f32 v27, v33;
	v27 =	vadd.f32 v55, v28  }
0x1c3: {  	v62 =	vld [tilespmem:s31+$0xFFFFFFA0];
	v28 =	vadd.f32 v57, v30;
	v44 =	vadd.f32 v44, v8  }
0x1c4: {  	v54 =	vadd.f32 v54, v10;
	v43 =	vadd.f32 v50, v61;
	v30 =	vperm.xlane v31, v0  }
0x1c5: {  	v47 =	vld [tilespmem:s12+$0x0];
	v57 =	vmul.f32 v27, v27;
	v59 =	vmul.f32 v28, v28;
	v32 =	vadd.f32 v58, v63  }
0x1c6: {  	v12 =	vmul.f32 v12, v6;
	v25 =	vadd.f32 v60, v26;
	v26 =	vld [tilespmem:s31+$0x0];
	v51 =	vadd.f32 v30, v31  }
0x1c7: {  	v50 =	vperm.xlane v43, v1;
	v30 =	vadd.f32 v38, v42;
	v46 =	vadd.f32 v59, v57;
	v38 =	vld [tilespmem:s12+$0x10]  }
0x1c8: {  	v31 =	vadd.f32 v62, v56;
	v62 =	vld [tilespmem:s31+$0x10];
	v59 =	vmul.f32 v32, v32;
	v60 =	vperm.xlane v51, v1  }
0x1c9: {  	v36 =	vld [tilespmem:s31+$0x20];
	v61 =	vmul.f32 v25, v25;
	v40 =	vadd.f32 v43, v50;
	v42 =	vmul.f32 v30, v30  }
0x1ca: {  	v43 =	vadd.f32 v25, v30;
	v50 =	vld [tilespmem:s12+$0x20];
	v63 =	vmul.f32 v31, v31;
	v51 =	vadd.f32 v60, v51  }
0x1cb: {  	v45 =	vld [tilespmem:s31+$0xFFFFFF00];
	v53 =	vperm.xlane v40, v2;
	v55 =	vadd.f32 v61, v42;
	v33 =	vadd.f32 v26, v47  }
0x1cc: {  	v35 =	vmul.f32 v29, v7;
	v26 =	vadd.f32 v32, v31;
	v60 =	vld [tilespmem:s12+$0xFFFFFF00];
	v63 =	vadd.f32 v59, v63  }
0x1cd: {  	v29 =	vmul.f32 v37, v37;
	v56 =	vld [tilespmem:s12+$0x30];
	v34 =	vadd.f32 v62, v38;
	v40 =	vadd.f32 v40, v53  }
0x1ce: {  	v38 =	vld [tilespmem:s31+$0x30];
	v58 =	vperm.xlane v51, v2;
	v26 =	vadd.f32 v26, v43;
	v47 =	vadd.f32 v63, v55  }
0x1cf: {  	v13 =	vmul.f32 v13, v7;
	v43 =	vadd.f32 v12, v10;
	v42 =	vadd.f32 v36, v50  }
0x1d0: {  	v63 =	vadd.f32 v34, v33;
	v61 =	vadd.f32 v58, v51;
	v62 =	vperm.xlane v40, v3  }
0x1d1: {  	v58 =	vmul.f32 v33, v33;
	v45 =	vadd.f32 v45, v60;
	v60 =	vmul.f32 v34, v34  }
0x1d2: {  	v51 =	vadd.f32 v28, v27;
	v40 =	vadd.f32 v40, v62;
	v57 =	vperm.xlane v61, v3  }
0x1d3: {  	v41 =	vadd.f32 v38, v56;
	v50 =	vadd.f32 v60, v58;
	v60 =	vmul.f32 v45, v45  }
0x1d4: {  	v53 =	vadd.f32 v37, v45;
	v36 =	vmul.f32 $1.562500000e-02, v40;
	v59 =	vadd.f32 v57, v61  }
0x1d5: {  	v57 =	vmul.f32 v42, v42;
	v58 =	vmul.f32 v41, v41;
	v29 =	vadd.f32 v29, v60  }
0x1d6: {  	v51 =	vadd.f32 v51, v53;
	v61 =	vmul.f32 $1.562500000e-02, v59;
	v62 =	vmul.f32 v36, v36  }
0x1d7: {  	v60 =	vperm.xlane v47, v0;
	v57 =	vadd.f32 v58, v57;
	v29 =	vadd.f32 v46, v29  }
0x1d8: {  	v59 =	vperm.xlane v51, v0;
	v61 =	vsub.f32 v61, v62;
	v62 =	vadd.f32 v41, v42  }
0x1d9: {  	v38 =	vmul.f32 v48, v5;
	v47 =	vadd.f32 v60, v47;
	v48 =	vadd.f32 v57, v50  }
0x1da: {  	v40 =	vmul.f32 v39, v4;
	v46 =	vadd.f32 v51, v59;
	v12 =	vadd.f32 v62, v63  }
0x1db: {  	v63 =	vperm.xlane v26, v0;
	v58 =	vmax.f32 v61, $0.0e+00;
	v57 =	vperm.xlane v48, v0  }
0x1dc: {  	v53 =	vadd.f32 $9.999999960e-13, v58;
	v58 =	vperm.xlane v46, v1;
	v61 =	vperm.xlane v12, v0  }
0x1dd: {  	v26 =	vadd.f32 v26, v63;
	v63 =	vperm.xlane v29, v0;
	v48 =	vadd.f32 v57, v48  }
0x1de: {  	v62 =	vshra.s32 v53, $0x1;
	v51 =	vmul.f32 $5.000000000e-01, v53;
	v12 =	vadd.f32 v12, v61  }
0x1df: {  	v39 =	vsub.s32 $0x5F3759DF, v62;
	v29 =	vadd.f32 v63, v29;
	v60 =	vperm.xlane v26, v1  }
0x1e0: {  	v46 =	vadd.f32 v46, v58;
	v63 =	vperm.xlane v47, v1;
	v59 =	vmul.f32 v39, v51  }
0x1e1: {  	v61 =	vperm.xlane v12, v1;
	v26 =	vadd.f32 v26, v60;
	v62 =	vperm.xlane v29, v1  }
0x1e2: {  	v47 =	vadd.f32 v63, v47;
	v60 =	vperm.xlane v48, v1;
	v53 =	vmul.f32 v39, v59  }
0x1e3: {  	v59 =	vperm.xlane v46, v2;
	v55 =	vadd.f32 v12, v61;
	v12 =	vmul.f32 v49, v6  }
0x1e4: {  	v29 =	vadd.f32 v62, v29;
	v61 =	vperm.xlane v26, v2;
	v48 =	vadd.f32 v60, v48  }
0x1e5: {  	v58 =	vsub.f32 $1.500000000e+00, v53;
	v46 =	vadd.f32 v46, v59;
	v62 =	vperm.xlane v55, v2  }
0x1e6: {  	v63 =	vperm.xlane v29, v2;
	v26 =	vadd.f32 v26, v61;
	v59 =	vperm.xlane v48, v2  }
0x1e7: {  	v24 =	vsub.f32 v24, v36;
	v39 =	vmul.f32 v39, v58;
	v58 =	vperm.xlane v47, v2  }
0x1e8: {  	v50 =	vadd.f32 v55, v62;
	v53 =	vadd.f32 v63, v29;
	v60 =	vperm.xlane v26, v3  }
0x1e9: {  	v29 =	vperm.xlane v46, v3;
	v48 =	vadd.f32 v59, v48;
	v57 =	vmul.f32 v39, v51  }
0x1ea: {  	v61 =	vperm.xlane v50, v3;
	v62 =	vperm.xlane v53, v3;
	v26 =	vadd.f32 v26, v60  }
0x1eb: {  	v47 =	vadd.f32 v58, v47;
	v58 =	vperm.xlane v48, v3;
	v49 =	vmul.f32 v57, v39  }
0x1ec: {  	v50 =	vadd.f32 v50, v61;
	v57 =	vadd.f32 v62, v53;
	v53 =	vmul.f32 $1.562500000e-02, v26  }
0x1ed: {  	v46 =	vadd.f32 v46, v29;
	v63 =	vperm.xlane v47, v3;
	v49 =	vsub.f32 $1.500000000e+00, v49  }
0x1ee: {  	s2 =	simm.s32 $0x13500;
	v48 =	vadd.f32 v58, v48;
	v50 =	vmul.f32 $1.562500000e-02, v50;
	v62 =	vmul.f32 v53, v53  }
0x1ef: {  	[tilespmem:s2+$0xA0] =	vst v43;
	v43 =	vsub.f32 v18, v36;
	v29 =	vmul.f32 v49, v39;
	v39 =	vmul.f32 $1.562500000e-02, v46  }
0x1f0: {  	v47 =	vadd.f32 v63, v47;
	v48 =	vmul.f32 $1.562500000e-02, v48;
	v46 =	vmul.f32 $1.562500000e-02, v57  }
0x1f1: {  	v18 =	vsub.f32 v20, v36;
	v63 =	vmul.f32 v50, v50;
	v59 =	vmul.f32 v39, v39  }
0x1f2: {  	v61 =	vmul.f32 $1.562500000e-02, v47;
	v24 =	vmul.f32 v29, v24;
	v26 =	vsub.f32 v45, v39  }
0x1f3: {  	v14 =	vmul.f32 v14, v4;
	v55 =	vsub.f32 v48, v63;
	v46 =	vsub.f32 v46, v59  }
0x1f4: {  	v60 =	vmul.f32 v24, v7;
	v24 =	vsub.f32 v37, v39;
	v37 =	vsub.f32 v61, v62  }
0x1f5: {  	v27 =	vsub.f32 v27, v39;
	v28 =	vsub.f32 v28, v39;
	v46 =	vmax.f32 v46, $0.0e+00  }
0x1f6: {  	v57 =	vmax.f32 v55, $0.0e+00;
	v37 =	vmax.f32 v37, $0.0e+00;
	v56 =	vadd.f32 $9.999999960e-13, v46  }
0x1f7: {  	v15 =	vmul.f32 v15, v5;
	v37 =	vadd.f32 $9.999999960e-13, v37;
	v46 =	vadd.f32 $9.999999960e-13, v57  }
0x1f8: {  	v45 =	vadd.f32 v60, v11;
	v58 =	vshra.s32 v56, $0x1;
	v48 =	vmul.f32 $5.000000000e-01, v56  }
0x1f9: {  	v59 =	vshra.s32 v37, $0x1;
	v49 =	vmul.f32 $5.000000000e-01, v37;
	v60 =	vshra.s32 v46, $0x1  }
0x1fa: {  	v46 =	vmul.f32 $5.000000000e-01, v46;
	v47 =	vsub.s32 $0x5F3759DF, v58;
	v51 =	vsub.s32 $0x5F3759DF, v59  }
0x1fb: {  	v55 =	vsub.s32 $0x5F3759DF, v60;
	v61 =	vmul.f32 v47, v48;
	v62 =	vmul.f32 v51, v49  }
0x1fc: {  	v39 =	vsub.f32 v25, v53;
	v37 =	vsub.f32 v31, v53;
	v25 =	vmul.f32 v55, v46  }
0x1fd: {  	v31 =	vsub.f32 v32, v53;
	v63 =	vmul.f32 v47, v61;
	v60 =	vmul.f32 v51, v62  }
0x1fe: {  	[tilespmem:s2+$0xB0] =	vst v16;
	v32 =	vsub.f32 v33, v50;
	v33 =	vsub.f32 v34, v50;
	v61 =	vmul.f32 v55, v25  }
0x1ff: {  	[tilespmem:s2+$0x90] =	vst v21;
	v16 =	vmul.f32 v23, v6;
	v21 =	vsub.f32 $1.500000000e+00, v63;
	v23 =	vsub.f32 $1.500000000e+00, v60  }
0x200: {  	[tilespmem:s2+$0x80] =	vst v17;
	v17 =	vmul.f32 v22, v7;
	v34 =	vsub.f32 v41, v50;
	v22 =	vsub.f32 $1.500000000e+00, v61  }
0x201: {  	[tilespmem:s2+$0xFFFFFF10] =	vst v52;
	v25 =	vsub.f32 v42, v50;
	v42 =	vmul.f32 v47, v21;
	v41 =	vmul.f32 v51, v23  }
0x202: {  	[tilespmem:s2+$0xFFFFFF00] =	vst v44;
	v30 =	vsub.f32 v30, v53;
	v21 =	vsub.f32 v19, v36;
	v19 =	vmul.f32 v55, v22  }
0x203: {  	s0 =	simm.s32 $0x13700;
	[tilespmem:s2+$0xFFFFFF20] =	vst v54;
	v63 =	vadd.f32 v35, v11;
	v22 =	vmul.f32 v42, v48;
	v62 =	vmul.f32 v41, v49  }
0x204: {  	[tilespmem:s0+$0xB0] =	vst v45;
	v36 =	vadd.f32 v40, v8;
	v35 =	vmul.f32 v19, v46;
	v20 =	vmul.f32 v29, v21  }
0x205: {  	s3 =	simm.s32 $0x4;
	s5 =	simm.s32 $0x7100;
	[tilespmem:s2+$0xFFFFFF30] =	vst v63;
	v23 =	vmul.f32 v22, v42;
	v21 =	vmul.f32 v62, v41;
	v22 =	vadd.f32 v38, v9  }
.LBB2_10:
0x206: {  	v38 =	vld [tilespmem:s5+$0x80];
	v35 =	vmul.f32 v35, v19;
	v40 =	vmul.f32 v29, v43;
	s31 =	sadd.s32 $0x200, s31;
	[tilespmem:s2+$0xFFFFFF80] =	vst v36;
	v12 =	vadd.f32 v12, v10  }
0x207: {  	v18 =	vmul.f32 v29, v18;
	v36 =	vld [tilespmem:s31+$0x80];
	v23 =	vsub.f32 $1.500000000e+00, v23;
	v21 =	vsub.f32 $1.500000000e+00, v21;
	[tilespmem:s2+$0xFFFFFF90] =	vst v22  }
0x208: {  	v20 =	vmul.f32 v20, v4;
	v22 =	vld [tilespmem:s5+$0x90];
	v29 =	vsub.f32 $1.500000000e+00, v35;
	v35 =	vmul.f32 v40, v5;
	[tilespmem:s2+$0xFFFFFFA0] =	vst v12  }
0x209: {  	v13 =	vadd.f32 v13, v11;
	v12 =	vld [tilespmem:s31+$0x90];
	v23 =	vmul.f32 v23, v42;
	v21 =	vmul.f32 v21, v41  }
0x20a: {  	v14 =	vadd.f32 v14, v8;
	v18 =	vmul.f32 v18, v6;
	v40 =	vld [tilespmem:s5+$0xA0];
	v19 =	vmul.f32 v29, v19  }
0x20b: {  	v41 =	vld [tilespmem:s31+$0xA0];
	v26 =	vmul.f32 v23, v26;
	v24 =	vmul.f32 v23, v24;
	[tilespmem:s2+$0xFFFFFFB0] =	vst v13;
	v13 =	vadd.f32 v15, v9  }
0x20c: {  	v27 =	vmul.f32 v23, v27;
	v23 =	vmul.f32 v23, v28;
	v15 =	vld [tilespmem:s5+$0xB0];
	[tilespmem:s2+$0x0] =	vst v14;
	v14 =	vadd.f32 v16, v10  }
0x20d: {  	v28 =	vmul.f32 v21, v30;
	v30 =	vmul.f32 v21, v39;
	v16 =	vld [tilespmem:s31+$0xB0];
	[tilespmem:s2+$0x10] =	vst v13;
	v13 =	vadd.f32 v17, v11  }
0x20e: {  	s3 =	sadd.s32 $0x4, s3;
	v20 =	vadd.f32 v20, v8;
	v31 =	vmul.f32 v21, v31;
	v17 =	vmul.f32 v21, v37;
	v29 =	vld [tilespmem:s31+$0xFFFFFF00];
	[tilespmem:s2+$0x20] =	vst v14  }
0x20f: {  	p0 =	slt.u32 s3, $0xC4;
	v32 =	vmul.f32 v19, v32;
	v33 =	vmul.f32 v19, v33;
	v21 =	vadd.f32 v35, v9;
	v14 =	vld [tilespmem:s5+$0xFFFFFF10];
	[tilespmem:s2+$0x30] =	vst v13;
	s2 =	smov.u32 s0  }
0x210: {  	v34 =	vmul.f32 v19, v34;
	v35 =	vmul.f32 v19, v25;
	v25 =	vadd.f32 v18, v10;
	v13 =	vld [tilespmem:s31+$0xFFFFFF10];
	[tilespmem:s0+$0x80] =	vst v20  }
0x211: {  	v19 =	vadd.f32 v36, v38;
	v36 =	vmul.f32 v26, v4;
	v18 =	vadd.f32 v12, v22;
	v37 =	vld [tilespmem:s5+$0xFFFFFF20];
	[tilespmem:s0+$0x90] =	vst v21  }
0x212: {  	v38 =	vmul.f32 v24, v5;
	v20 =	vadd.f32 v41, v40;
	v12 =	vld [tilespmem:s31+$0xFFFFFF20];
	v26 =	vadd.f32 v16, v15;
	[tilespmem:s0+$0xA0] =	vst v25  }
0x213: {  	v39 =	vmul.f32 v27, v6;
	v21 =	vmul.f32 v23, v7;
	v16 =	vadd.f32 v18, v19;
	v15 =	vld [tilespmem:s5+$0xFFFFFF30]  }
0x214: {  	v27 =	vmul.f32 v19, v19;
	v40 =	vmul.f32 v18, v18;
	v25 =	vld [tilespmem:s31+$0xFFFFFF30];
	v22 =	vadd.f32 v26, v20  }
0x215: {  	v24 =	vadd.f32 v13, v14;
	v41 =	vld [tilespmem:s5+$0xFFFFFF80];
	v13 =	vmul.f32 v20, v20;
	v14 =	vmul.f32 v26, v26  }
0x216: {  	v23 =	vmul.f32 v28, v4;
	v42 =	vld [tilespmem:s31+$0xFFFFFF80];
	v16 =	vadd.f32 v22, v16;
	v22 =	vmul.f32 v30, v5  }
0x217: {  	v30 =	vadd.f32 v40, v27;
	v43 =	vmul.f32 v24, v24;
	v44 =	vld [tilespmem:s5+$0xFFFFFF90];
	v14 =	vadd.f32 v14, v13  }
0x218: {  	v27 =	vadd.f32 v12, v37;
	v12 =	vmul.f32 v17, v6;
	v13 =	vmul.f32 v31, v7;
	v37 =	vld [tilespmem:s31+$0xFFFFFF90]  }
0x219: {  	v28 =	vadd.f32 v25, v15;
	v17 =	vld [tilespmem:s5+$0xFFFFFFA0];
	v31 =	vadd.f32 v14, v30;
	v15 =	vperm.xlane v16, v0  }
0x21a: {  	v40 =	vmul.f32 v27, v27;
	v25 =	vadd.f32 v36, v8;
	v14 =	vmul.f32 v32, v4;
	v45 =	vld [tilespmem:s31+$0xFFFFFFA0]  }
0x21b: {  	v30 =	vadd.f32 v42, v41;
	v32 =	vld [tilespmem:s5+$0xFFFFFFB0];
	v36 =	vadd.f32 v16, v15;
	v16 =	vperm.xlane v31, v0  }
0x21c: {  	v41 =	vadd.f32 v28, v27;
	v42 =	vmul.f32 v28, v28;
	v15 =	vmul.f32 v33, v5;
	v46 =	vld [tilespmem:s31+$0xFFFFFFB0];
	[tilespmem:s0+$0xFFFFFF00] =	vst v25  }
0x21d: {  	v25 =	vadd.f32 v37, v44;
	v33 =	vld [tilespmem:s5+$0x0];
	v37 =	vperm.xlane v36, v1;
	v44 =	vadd.f32 v16, v31  }
0x21e: {  	v40 =	vadd.f32 v42, v40;
	v42 =	vmul.f32 v30, v30;
	v16 =	vmul.f32 v35, v6;
	v47 =	vld [tilespmem:s31+$0x0]  }
0x21f: {  	v31 =	vadd.f32 v45, v17;
	v35 =	vld [tilespmem:s5+$0x10];
	v36 =	vadd.f32 v36, v37;
	v37 =	vperm.xlane v44, v1  }
0x220: {  	v45 =	vadd.f32 v25, v30;
	v48 =	vmul.f32 v25, v25;
	v17 =	vmul.f32 v34, v7;
	v49 =	vld [tilespmem:s31+$0x10]  }
0x221: {  	v32 =	vadd.f32 v46, v32;
	v46 =	vld [tilespmem:s5+$0x20];
	v34 =	vperm.xlane v36, v2;
	v37 =	vadd.f32 v37, v44  }
0x222: {  	v38 =	vadd.f32 v38, v9;
	v42 =	vadd.f32 v48, v42;
	v44 =	vmul.f32 v31, v31;
	v48 =	vld [tilespmem:s31+$0x20]  }
0x223: {  	v33 =	vadd.f32 v47, v33;
	v47 =	vld [tilespmem:s5+$0x30];
	v50 =	vadd.f32 v36, v34;
	v36 =	vperm.xlane v37, v2  }
0x224: {  	v51 =	vadd.f32 v32, v31;
	v52 =	vmul.f32 v32, v32;
	v53 =	vld [tilespmem:s31+$0x30];
	[tilespmem:s0+$0xFFFFFF10] =	vst v38;
	v38 =	vadd.f32 v39, v10  }
0x225: {  	v39 =	vld [tilespmem:s5+$0xFFFFFF00];
	v34 =	vadd.f32 v49, v35;
	v35 =	vperm.xlane v50, v3;
	v37 =	vadd.f32 v36, v37  }
0x226: {  	v45 =	vadd.f32 v51, v45;
	v44 =	vadd.f32 v52, v44;
	v49 =	vmul.f32 v33, v33;
	[tilespmem:s0+$0xFFFFFF20] =	vst v38  }
0x227: {  	v36 =	vadd.f32 v48, v46;
	v35 =	vadd.f32 v50, v35;
	v46 =	vperm.xlane v37, v3  }
0x228: {  	v42 =	vadd.f32 v44, v42;
	v44 =	vadd.f32 v34, v33;
	v48 =	vmul.f32 v34, v34  }
0x229: {  	v38 =	vadd.f32 v53, v47;
	v35 =	vmul.f32 $1.562500000e-02, v35;
	v37 =	vadd.f32 v46, v37  }
0x22a: {  	v46 =	vmul.f32 v36, v36;
	v39 =	vadd.f32 v29, v39;
	v29 =	vadd.f32 v48, v49  }
0x22b: {  	v47 =	vadd.f32 v38, v36;
	v37 =	vmul.f32 $1.562500000e-02, v37;
	v48 =	vmul.f32 v35, v35  }
0x22c: {  	v51 =	vmul.f32 v38, v38;
	v49 =	vadd.f32 v24, v39;
	v50 =	vmul.f32 v39, v39  }
0x22d: {  	v52 =	vperm.xlane v45, v0;
	v44 =	vadd.f32 v47, v44;
	v37 =	vsub.f32 v37, v48  }
0x22e: {  	v47 =	vperm.xlane v42, v0;
	v41 =	vadd.f32 v41, v49;
	v43 =	vadd.f32 v43, v50  }
0x22f: {  	v46 =	vadd.f32 v51, v46;
	v48 =	vperm.xlane v44, v0;
	v37 =	vmax.f32 v37, $0.0e+00  }
0x230: {  	v40 =	vadd.f32 v40, v43;
	v43 =	vperm.xlane v41, v0;
	v37 =	vadd.f32 $9.999999960e-13, v37  }
0x231: {  	v45 =	vadd.f32 v45, v52;
	v29 =	vadd.f32 v46, v29  }
0x232: {  	v41 =	vadd.f32 v41, v43;
	v43 =	vshra.s32 v37, $0x1;
	v37 =	vmul.f32 $5.000000000e-01, v37  }
0x233: {  	v44 =	vadd.f32 v44, v48;
	v46 =	vperm.xlane v40, v0;
	v43 =	vsub.s32 $0x5F3759DF, v43  }
0x234: {  	v42 =	vadd.f32 v47, v42;
	v47 =	vperm.xlane v29, v0;
	v48 =	vmul.f32 v43, v37  }
0x235: {  	v49 =	vperm.xlane v41, v1;
	v40 =	vadd.f32 v46, v40;
	v46 =	vperm.xlane v45, v1  }
0x236: {  	v50 =	vperm.xlane v44, v1;
	v29 =	vadd.f32 v47, v29;
	v47 =	vmul.f32 v43, v48  }
0x237: {  	v41 =	vadd.f32 v41, v49;
	v48 =	vperm.xlane v40, v1;
	v45 =	vadd.f32 v45, v46  }
0x238: {  	v44 =	vadd.f32 v44, v50;
	v46 =	vperm.xlane v42, v1;
	v47 =	vsub.f32 $1.500000000e+00, v47  }
0x239: {  	v49 =	vperm.xlane v41, v2;
	v40 =	vadd.f32 v48, v40;
	v48 =	vperm.xlane v29, v1  }
0x23a: {  	v50 =	vperm.xlane v45, v2;
	v42 =	vadd.f32 v46, v42;
	v43 =	vmul.f32 v43, v47  }
0x23b: {  	v46 =	vperm.xlane v44, v2;
	v41 =	vadd.f32 v41, v49;
	v29 =	vadd.f32 v48, v29  }
0x23c: {  	v47 =	vperm.xlane v40, v2;
	v45 =	vadd.f32 v45, v50;
	v37 =	vmul.f32 v43, v37  }
0x23d: {  	v48 =	vperm.xlane v42, v2;
	v44 =	vadd.f32 v44, v46;
	v46 =	vperm.xlane v29, v2  }
0x23e: {  	v49 =	vperm.xlane v41, v3;
	v40 =	vadd.f32 v47, v40;
	v37 =	vmul.f32 v37, v43  }
0x23f: {  	v47 =	vperm.xlane v45, v3;
	v42 =	vadd.f32 v48, v42;
	v48 =	vperm.xlane v44, v3  }
0x240: {  	v50 =	vperm.xlane v40, v3;
	v46 =	vadd.f32 v46, v29;
	v29 =	vsub.f32 $1.500000000e+00, v37  }
0x241: {  	v37 =	vadd.f32 v41, v49;
	v41 =	vadd.f32 v45, v47;
	v45 =	vperm.xlane v42, v3  }
0x242: {  	v26 =	vsub.f32 v26, v35;
	v44 =	vadd.f32 v44, v48;
	v29 =	vmul.f32 v29, v43  }
0x243: {  	v40 =	vadd.f32 v50, v40;
	v37 =	vmul.f32 $1.562500000e-02, v37;
	v43 =	vperm.xlane v46, v3  }
0x244: {  	v41 =	vmul.f32 $1.562500000e-02, v41;
	v42 =	vadd.f32 v45, v42;
	v45 =	vmul.f32 v29, v26  }
0x245: {  	v44 =	vmul.f32 $1.562500000e-02, v44;
	v40 =	vmul.f32 $1.562500000e-02, v40;
	v43 =	vadd.f32 v43, v46  }
0x246: {  	v46 =	vmul.f32 v37, v37;
	v26 =	vsub.f32 v39, v37;
	v39 =	vmul.f32 v45, v7  }
0x247: {  	v24 =	vsub.f32 v24, v37;
	v42 =	vmul.f32 $1.562500000e-02, v42;
	v45 =	vmul.f32 v41, v41  }
0x248: {  	v47 =	vmul.f32 v44, v44;
	v43 =	vmul.f32 $1.562500000e-02, v43;
	v39 =	vadd.f32 v39, v11  }
0x249: {  	s0 =	sadd.s32 $0x200, s0;
	v40 =	vsub.f32 v40, v46;
	v42 =	vsub.f32 v42, v45  }
0x24a: {  	v27 =	vsub.f32 v27, v37;
	v43 =	vsub.f32 v43, v47;
	[tilespmem:s0+$0xB0] =	vst v39  }
0x24b: {  	v28 =	vsub.f32 v28, v37;
	v39 =	vmax.f32 v40, $0.0e+00;
	v37 =	vmax.f32 v42, $0.0e+00  }
0x24c: {  	v40 =	vmax.f32 v43, $0.0e+00;
	v39 =	vadd.f32 $9.999999960e-13, v39;
	v37 =	vadd.f32 $9.999999960e-13, v37  }
0x24d: {  	v30 =	vsub.f32 v30, v41;
	v40 =	vadd.f32 $9.999999960e-13, v40  }
0x24e: {  	v42 =	vshra.s32 v39, $0x1;
	v45 =	vmul.f32 $5.000000000e-01, v39;
	v39 =	vshra.s32 v37, $0x1  }
0x24f: {  	v46 =	vmul.f32 $5.000000000e-01, v37;
	v37 =	vshra.s32 v40, $0x1;
	v40 =	vmul.f32 $5.000000000e-01, v40  }
0x250: {  	v42 =	vsub.s32 $0x5F3759DF, v42;
	v43 =	vsub.s32 $0x5F3759DF, v39;
	v47 =	vsub.s32 $0x5F3759DF, v37  }
0x251: {  	v39 =	vsub.f32 v25, v41;
	v48 =	vmul.f32 v42, v45;
	v49 =	vmul.f32 v43, v46  }
0x252: {  	v37 =	vsub.f32 v31, v41;
	v31 =	vsub.f32 v32, v41;
	v25 =	vmul.f32 v47, v40  }
0x253: {  	v32 =	vsub.f32 v33, v44;
	v41 =	vmul.f32 v42, v48;
	v48 =	vmul.f32 v43, v49  }
0x254: {  	v33 =	vsub.f32 v34, v44;
	v49 =	vmul.f32 v47, v25;
	v25 =	vsub.f32 v36, v44  }
0x255: {  	v36 =	vsub.f32 $1.500000000e+00, v41;
	v41 =	vsub.f32 $1.500000000e+00, v48  }
0x256: {  	v34 =	vsub.f32 v38, v44;
	v48 =	vsub.f32 $1.500000000e+00, v49  }
.Ltmp5:
0x257: {  	v42 =	vmul.f32 v42, v36;
	v41 =	vmul.f32 v43, v41;
	v36 =	vsub.f32 v19, v35;
	(pc) =	sbr.rel @p0 .LBB2_10-.Ltmp5, $4  }
0x258: {  	v19 =	vmul.f32 v47, v48;
	v43 =	vsub.f32 v18, v35;
	v18 =	vsub.f32 v20, v35  }
0x259: {  	v38 =	vmul.f32 v42, v45;
	v44 =	vmul.f32 v41, v46;
	v45 =	vadd.f32 v21, v11  }
0x25a: {  	v35 =	vmul.f32 v19, v40;
	v20 =	vmul.f32 v29, v36;
	v36 =	vadd.f32 v23, v8  }
0x25b: {  	v22 =	vadd.f32 v22, v9;
	s5 =	sadd.s32 $0x200, s5;
	v23 =	vmul.f32 v38, v42;
	v21 =	vmul.f32 v44, v41;
	[tilespmem:s2+$0xFFFFFF30] =	vst v45  }
0x25c: {  	v35 =	vmul.f32 v35, v19;
	[tilespmem:s2+$0xFFFFFF80] =	vst v36;
	v12 =	vadd.f32 v12, v10;
	v57 =	vmul.f32 v29, v43  }
0x25d: {  	v13 =	vadd.f32 v13, v11;
	v18 =	vmul.f32 v29, v18;
	v23 =	vsub.f32 $1.500000000e+00, v23;
	[tilespmem:s2+$0xFFFFFF90] =	vst v22  }
0x25e: {  	v59 =	vadd.f32 v14, v8;
	v60 =	vmul.f32 v20, v4;
	v62 =	vadd.f32 v15, v9;
	[tilespmem:s2+$0xFFFFFFA0] =	vst v12  }
0x25f: {  	v29 =	vadd.f32 v16, v10;
	v21 =	vsub.f32 $1.500000000e+00, v21;
	[tilespmem:s2+$0xFFFFFFB0] =	vst v13;
	v61 =	vmul.f32 v23, v42  }
0x260: {  	v58 =	vsub.f32 $1.500000000e+00, v35;
	v63 =	vmul.f32 v57, v5;
	[tilespmem:s2+$0x0] =	vst v59;
	v40 =	vmul.f32 v18, v6  }
0x261: {  	v38 =	vadd.f32 v17, v11;
	[tilespmem:s2+$0x10] =	vst v62;
	v21 =	vmul.f32 v21, v41;
	v36 =	vmul.f32 v61, v26  }
0x262: {  	v14 =	vadd.f32 v60, v8;
	[tilespmem:s2+$0x20] =	vst v29;
	v35 =	vmul.f32 v58, v19;
	v41 =	vmul.f32 v61, v24  }
0x263: {  	[tilespmem:s2+$0x30] =	vst v38;
	v15 =	vadd.f32 v63, v9;
	v42 =	vmul.f32 v61, v27;
	v43 =	vmul.f32 v36, v4  }
0x264: {  	[tilespmem:s0+$0x80] =	vst v14;
	v45 =	vadd.f32 v40, v10;
	v44 =	vmul.f32 v61, v28;
	v46 =	vmul.f32 v41, v5  }
0x265: {  	v47 =	vmul.f32 v21, v30;
	[tilespmem:s0+$0x90] =	vst v15;
	v12 =	vmul.f32 v42, v6;
	v13 =	vadd.f32 v43, v8  }
0x266: {  	v48 =	vmul.f32 v21, v39;
	[tilespmem:s0+$0xA0] =	vst v45;
	v49 =	vmul.f32 v44, v7;
	v17 =	vadd.f32 v46, v9  }
0x267: {  	v50 =	vmul.f32 v21, v37;
	v18 =	vmul.f32 v47, v4;
	v12 =	vadd.f32 v12, v10;
	[tilespmem:s0+$0xFFFFFF00] =	vst v13  }
0x268: {  	v56 =	vmul.f32 v35, v25;
	v15 =	vmul.f32 v48, v5;
	v14 =	vadd.f32 v49, v11;
	[tilespmem:s0+$0xFFFFFF10] =	vst v17  }
0x269: {  	v16 =	vmul.f32 v35, v34;
	v19 =	vmul.f32 v50, v6;
	v53 =	vadd.f32 v18, v8;
	[tilespmem:s0+$0xFFFFFF20] =	vst v12  }
0x26a: {  	v54 =	vmul.f32 v35, v33;
	v58 =	vmul.f32 v56, v6;
	v55 =	vadd.f32 v15, v9;
	[tilespmem:s0+$0xFFFFFF30] =	vst v14  }
0x26b: {  	v51 =	vmul.f32 v21, v31;
	v60 =	vmul.f32 v16, v7;
	v57 =	vadd.f32 v19, v10;
	[tilespmem:s0+$0xFFFFFF80] =	vst v53  }
0x26c: {  	v52 =	vmul.f32 v35, v32;
	v18 =	vmul.f32 v54, v5;
	v62 =	vadd.f32 v58, v10;
	[tilespmem:s0+$0xFFFFFF90] =	vst v55  }
0x26d: {  	s29 =	sadd.s32 $0x1, s29;
	v63 =	vadd.f32 v60, v11;
	v13 =	vmul.f32 v51, v7;
	[tilespmem:s0+$0xFFFFFFA0] =	vst v57  }
0x26e: {  	p0 =	sne.s32 s29, $0x40;
	v17 =	vmul.f32 v52, v4;
	v61 =	vadd.f32 v18, v9;
	[tilespmem:s0+$0x20] =	vst v62  }
.Ltmp6:
0x26f: {  	s30 =	sadd.s32 s8, s30;
	[tilespmem:s0+$0x30] =	vst v63;
	v13 =	vadd.f32 v13, v11;
	(pc) =	sbr.rel @p0 .LBB2_2-.Ltmp6, $4  }
0x270: {  	s2 =	smul.u32 $0xC80, s30;
	v59 =	vadd.f32 v17, v8;
	[tilespmem:s0+$0x10] =	vst v61  }
0x271: {  	[tilespmem:s0+$0xFFFFFFB0] =	vst v13  }
0x272: {  	s31 =	sadd.s32 s9, s2;
	[tilespmem:s0+$0x0] =	vst v59  }
0x273: {  	[hbm4b:s31+s4] =	stream.linear.scatter [tilespmem:s25], [sflag:$0x2], $0x6400, $0x38;
	[tilespmem:$0x1FD00] =	vst v63  }
0x274: {  	s28 =	sadd.s32 $0x1, s28  }
0x275: {  	_ =	swait.ge [sflag:s26], $0x6400;
	p0 =	sne.s32 s28, s11  }
.Ltmp7:
0x276: {  	[sflag:s26] =	ssyncset.done $0x0;
	(pc) =	sbr.rel @p0 .LBB2_1-.Ltmp7, $4  }
0x277: {  	[sflag:s26] =	ssyncadd.s32 $0xFFFF9C00  }
0x278: {  	_ =	swait.ge [sflag:s26], $0x6400  }
0x279: {  	[sflag:s26] =	ssyncset.done $0x0  }
0x27a: {  	[sflag:s26] =	ssyncadd.s32 $0xFFFF9C00  }
0x27b: {  	_ =	sfence.sel $0x180000  }
0x27c: {  	[bflag:$0x0] =	sbarrier.arrive $0xFFFF  }
0x27d: {  	_ =	strace $0x90000047  }
0x27e: {  	s0 =	stileid.u32;
	[bflag:$0x2] =	sbarrier.arrive $0xFFFF  }
0x27f: {  	p0 =	sne.s32 s0, $0x0;
	s0 =	rddreg [dreg:$0x4]  }
0x280: {  	s0 =	sadd.s32 @!p0 $0x100000, s0  }
0x281: {  	[sflag:s0] =	ssyncadd.tile.s32 @!p0 $0x1;
	_ =	shalt  }
.Lfunc_end2:
_tile_overlayer_lowered:
.L_overlay_start_2:
0x282: {  	(tag) =	ssettag $0x2  }
0x283: {  	s0 =	rddreg [dreg:$0x0];
	s2 =	stileid.u32  }
0x284: {  	s1 =	rddreg [dreg:$0x1];
	p0 =	sne.s32 s2, $0x0  }
0x285: {  	s3 =	rddreg [dreg:$0x2];
	[bflag:$0x3] =	sbarrier.arrive $0xFFFF;
	s2 =	simm.s32 @!p0 $0x1C03  }
0x286: {  	[timem:s3], [sflag:s2] =	dma.local @!p0 [hbm:s0], s1  }
0x287: {  	s0 =	simm.s32 @!p0 $0x3  }
0x288: {  	_ =	swait.ge @!p0 [sflag:s0], s1  }
0x289: {  	s1 =	ssub.s32 @!p0 $0x0, s1;
	[sflag:s0] =	ssyncset.done @!p0 $0x0  }
0x28a: {  	[sflag:s0] =	ssyncadd.s32 @!p0 s1  }
0x28b: {  	[bflag:$0x3] =	sbarrier.arrive $0xFFFF  }
0x28c: {  	_ =	shalt  }

</sc_bundles>
